<compile_context>
chip_gen: v7x
topology: tpu7x:2x2x1
jax: 0.10.2.dev20260603
libtpu: 0.0.44.dev20260713+nightly
codegen_flags: <defaults>
</compile_context>

<pallas_src>
import jax
import jax.numpy as jnp
from jax import lax
from jax.experimental import pallas as pl
from jax.experimental.pallas import tpu as pltpu
from jax.experimental.pallas import tpu_sc as plsc

_D = 64
_B = 4096
_H = 200
_N = _B * _H
_NW = 32
_PER_W = _N // _NW
_CH = 128
_NCHUNK = _PER_W // _CH
_NBUF = 4
_NGROUP = _NCHUNK // _NBUF


def _body(table, idx, out, idxb, rows, *sems):
    gsem = sems[:_NBUF]
    psem = sems[_NBUF:]
    w = lax.axis_index("s") * 2 + lax.axis_index("c")
    base = w * _PER_W

    pltpu.sync_copy(idx.at[w], idxb)

    for b in range(_NBUF):
        pltpu.async_copy(table.at[idxb.at[b]], rows.at[b], gsem[b])

    @pl.loop(0, _NGROUP - 1)
    def _group(g):
        for b in range(_NBUF):
            j = g * _NBUF + b
            o = out.at[pl.ds(base + j * _CH, _CH)]
            pltpu.make_async_copy(
                table.at[idxb.at[j]], rows.at[b], gsem[b]).wait()
            pltpu.async_copy(rows.at[b], o, psem[b])
            pltpu.make_async_copy(rows.at[b], o, psem[b]).wait()
            pltpu.async_copy(table.at[idxb.at[j + _NBUF]], rows.at[b], gsem[b])

    for b in range(_NBUF):
        j = (_NGROUP - 1) * _NBUF + b
        o = out.at[pl.ds(base + j * _CH, _CH)]
        pltpu.make_async_copy(table.at[idxb.at[j]], rows.at[b], gsem[b]).wait()
        pltpu.async_copy(rows.at[b], o, psem[b])
    for b in range(_NBUF):
        j = (_NGROUP - 1) * _NBUF + b
        o = out.at[pl.ds(base + j * _CH, _CH)]
        pltpu.make_async_copy(rows.at[b], o, psem[b]).wait()


_TW = 2048


def _tp_body(tt_ref, out_ref):
    blk = tt_ref[...]
    t = jnp.transpose(blk, (1, 0))
    out_ref[:, :64] = t


_tc_pad = pl.pallas_call(
    _tp_body,
    out_shape=jax.ShapeDtypeStruct((1000000, 128), jnp.float32),
    grid=(pl.cdiv(1000000, _TW),),
    in_specs=[pl.BlockSpec((64, _TW), lambda i: (0, i))],
    out_specs=pl.BlockSpec((_TW, 128), lambda i: (i, 0)),
)


_mesh = plsc.VectorSubcoreMesh(core_axis_name="c", subcore_axis_name="s")

_gather = pl.kernel(
    _body,
    out_type=jax.ShapeDtypeStruct((_N, 128), jnp.float32),
    mesh=_mesh,
    scratch_types=[
        pltpu.VMEM((_NCHUNK, _CH), jnp.int32),
        pltpu.VMEM((_NBUF, _CH, 128), jnp.float32),
    ] + [pltpu.SemaphoreType.DMA] * (2 * _NBUF),
)


@jax.jit
def kernel(x, embedding):
    idx = x.astype(jnp.int32).reshape(_NW, _NCHUNK, _CH)
    table = _tc_pad(jnp.transpose(embedding))
    out = _gather(table, idx)
    return out.reshape(_B, _H, 128)[:, :, :_D]

# --- scband reference (transcript-rebuilt; emitter-appended) ---
"""Pipeline reference for scband-hyperbolic-embedding-50199577755875 (READ-ONLY COPY).

The authoritative reference and input builder live on the scoring server;
editing this copy changes nothing except your own understanding.
"""

import jax, jax.numpy as jnp
import numpy as np

VOCAB = 1000000
EMBED_DIM = 64
BATCH = 4096
HIST = 200

def _xavier_uniform(key, shape, dtype=jnp.float32):
    fan_in, fan_out = shape[1], shape[0]
    limit = float(np.sqrt(6.0 / (fan_in + fan_out)))
    return jax.random.uniform(key, shape, dtype=dtype, minval=-limit, maxval=limit)

def setup_inputs(seed: int = 0) -> dict:
    key = jax.random.key(seed)
    k_idx, k_emb = jax.random.split(key)
    x = jax.random.randint(k_idx, (BATCH, HIST), 0, VOCAB, dtype=jnp.int64)
    embedding = _xavier_uniform(k_emb, (VOCAB, EMBED_DIM))
    return {"x": x, "embedding": embedding}

def reference(x, embedding):
    # HyperbolicEmbedding.forward: simple row gather from the (manifold) parameter table
    return jnp.take(embedding, x, axis=0)

if __name__ == "__main__":
    import jax
    _d = setup_inputs()
    print(jax.jit(kernel)(*tuple(_d.values())))

</pallas_src>

<mosaic_0001>
#map = affine_map<(d0, d1) -> (0, 0)>
#map1 = affine_map<(d0, d1) -> (0, 0, 0)>
module attributes {stable_mosaic.version = 14 : i64} {
  func.func @_body(%arg0: i32, %arg1: i32, %arg2: memref<1000000x128xf32, #tpu.memory_space<hbm>>, %arg3: memref<32x200x128xi32, #tpu.memory_space<hbm>>, %arg4: memref<819200x128xf32, #tpu.memory_space<hbm>>, %arg5: memref<200x128xi32, #tpu.memory_space<vmem>>, %arg6: memref<4x128x128xf32, #tpu.memory_space<vmem>>, %arg7: memref<!tpu.dma_semaphore, #tpu.memory_space<semaphore_mem>>, %arg8: memref<!tpu.dma_semaphore, #tpu.memory_space<semaphore_mem>>, %arg9: memref<!tpu.dma_semaphore, #tpu.memory_space<semaphore_mem>>, %arg10: memref<!tpu.dma_semaphore, #tpu.memory_space<semaphore_mem>>, %arg11: memref<!tpu.dma_semaphore, #tpu.memory_space<semaphore_mem>>, %arg12: memref<!tpu.dma_semaphore, #tpu.memory_space<semaphore_mem>>, %arg13: memref<!tpu.dma_semaphore, #tpu.memory_space<semaphore_mem>>, %arg14: memref<!tpu.dma_semaphore, #tpu.memory_space<semaphore_mem>>) attributes {dimension_semantics = [#tpu.dimension_semantics<core_parallel>, #tpu.dimension_semantics<subcore_parallel>], iteration_bounds = array<i64: 2, 16>, scalar_prefetch = 0 : i64, scratch_operands = 10 : i64, tpu.core_type = #tpu.core_type<sc_vector_subcore>, window_params = [{transform_indices = #map}, {transform_indices = #map1}, {transform_indices = #map}]} {
    %mul3A = arith.constant 2 : i32
    %mul3A_0 = arith.muli %arg1, %mul3A : i32
    %add3A = arith.addi %mul3A_0, %arg0 : i32
    %mul3A_1 = arith.constant 25600 : i32
    %mul3A_2 = arith.muli %add3A, %mul3A_1 : i32
    "tpu.region"() ({
      %run_scoped3A = tpu.sem_alloc : memref<!tpu.dma_semaphore, #tpu.memory_space<semaphore_mem>>
      %dma_start3A_221 = arith.constant 0 : i32
      %dma_start3A_222 = arith.constant 0 : i32
      %dma_start3A_223 = tpu.memref_slice %arg3[%add3A, %dma_start3A_221, %dma_start3A_222] : memref<32x200x128xi32, #tpu.memory_space<hbm>> -> memref<1x200x128xi32, #tpu.memory_space<hbm>>
      %dma_start3A_224 = tpu.memref_squeeze %dma_start3A_223 : memref<1x200x128xi32, #tpu.memory_space<hbm>> -> memref<200x128xi32, #tpu.memory_space<hbm>>
      %dma_start3A_225 = arith.constant 0 : i32
      %dma_start3A_226 = arith.constant 0 : i32
      %dma_start3A_227 = tpu.memref_slice %arg3[%add3A, %dma_start3A_225, %dma_start3A_226] : memref<32x200x128xi32, #tpu.memory_space<hbm>> -> memref<1x200x128xi32, #tpu.memory_space<hbm>>
      %dma_start3A_228 = tpu.memref_squeeze %dma_start3A_227 : memref<1x200x128xi32, #tpu.memory_space<hbm>> -> memref<200x128xi32, #tpu.memory_space<hbm>>
      tpu.enqueue_dma source(%dma_start3A_228 : memref<200x128xi32, #tpu.memory_space<hbm>>) target(%arg5 : memref<200x128xi32, #tpu.memory_space<vmem>>) target_semaphore(%run_scoped3A : memref<!tpu.dma_semaphore, #tpu.memory_space<semaphore_mem>>)
      %dma_wait3A_229 = arith.constant 0 : i32
      %dma_wait3A_230 = arith.constant 0 : i32
      %dma_wait3A_231 = tpu.memref_slice %arg3[%add3A, %dma_wait3A_229, %dma_wait3A_230] : memref<32x200x128xi32, #tpu.memory_space<hbm>> -> memref<1x200x128xi32, #tpu.memory_space<hbm>>
      %dma_wait3A_232 = tpu.memref_squeeze %dma_wait3A_231 : memref<1x200x128xi32, #tpu.memory_space<hbm>> -> memref<200x128xi32, #tpu.memory_space<hbm>>
      %dma_wait3A_233 = arith.constant 0 : i32
      %dma_wait3A_234 = arith.constant 0 : i32
      %dma_wait3A_235 = tpu.memref_slice %arg3[%add3A, %dma_wait3A_233, %dma_wait3A_234] : memref<32x200x128xi32, #tpu.memory_space<hbm>> -> memref<1x200x128xi32, #tpu.memory_space<hbm>>
      %dma_wait3A_236 = tpu.memref_squeeze %dma_wait3A_235 : memref<1x200x128xi32, #tpu.memory_space<hbm>> -> memref<200x128xi32, #tpu.memory_space<hbm>>
      tpu.wait_dma2 semaphore(%run_scoped3A : memref<!tpu.dma_semaphore, #tpu.memory_space<semaphore_mem>>) src(%dma_wait3A_236 : memref<200x128xi32, #tpu.memory_space<hbm>>) dst(%arg5 : memref<200x128xi32, #tpu.memory_space<vmem>>)
      tpu.yield
    }) : () -> ()
    %dma_start3A = arith.constant 0 : i32
    %dma_start3A_3 = arith.constant 0 : i32
    %dma_start3A_4 = arith.constant 0 : i32
    %dma_start3A_5 = arith.constant 0 : i32
    %dma_start3A_6 = tpu.memref_slice %arg6[%dma_start3A_3, %dma_start3A_4, %dma_start3A_5] : memref<4x128x128xf32, #tpu.memory_space<vmem>> -> memref<1x128x128xf32, #tpu.memory_space<vmem>>
    %dma_start3A_7 = tpu.memref_squeeze %dma_start3A_6 : memref<1x128x128xf32, #tpu.memory_space<vmem>> -> memref<128x128xf32, #tpu.memory_space<vmem>>
    %dma_start3A_8 = arith.constant 0 : i32
    %dma_start3A_9 = tpu.memref_slice %arg5[%dma_start3A, %dma_start3A_8] : memref<200x128xi32, #tpu.memory_space<vmem>> -> memref<1x128xi32, #tpu.memory_space<vmem>>
    %dma_start3A_10 = tpu.memref_squeeze %dma_start3A_9 : memref<1x128xi32, #tpu.memory_space<vmem>> -> memref<128xi32, #tpu.memory_space<vmem>>
    %dma_start3A_11 = arith.constant 0 : i32
    %dma_start3A_12 = arith.constant 0 : i32
    %dma_start3A_13 = tpu.memref_slice %arg2[%dma_start3A_11, %dma_start3A_12] : memref<1000000x128xf32, #tpu.memory_space<hbm>> -> memref<1000000x128xf32, #tpu.memory_space<hbm>>
    tpu.enqueue_indirect_dma source(%dma_start3A_13 : memref<1000000x128xf32, #tpu.memory_space<hbm>>) target(%dma_start3A_7 : memref<128x128xf32, #tpu.memory_space<vmem>>) offsets(%dma_start3A_10 : memref<128xi32, #tpu.memory_space<vmem>>) semaphore(%arg7 : memref<!tpu.dma_semaphore, #tpu.memory_space<semaphore_mem>>)
    %dma_start3A_14 = arith.constant 1 : i32
    %dma_start3A_15 = arith.constant 1 : i32
    %dma_start3A_16 = arith.constant 0 : i32
    %dma_start3A_17 = arith.constant 0 : i32
    %dma_start3A_18 = tpu.memref_slice %arg6[%dma_start3A_15, %dma_start3A_16, %dma_start3A_17] : memref<4x128x128xf32, #tpu.memory_space<vmem>> -> memref<1x128x128xf32, #tpu.memory_space<vmem>>
    %dma_start3A_19 = tpu.memref_squeeze %dma_start3A_18 : memref<1x128x128xf32, #tpu.memory_space<vmem>> -> memref<128x128xf32, #tpu.memory_space<vmem>>
    %dma_start3A_20 = arith.constant 0 : i32
    %dma_start3A_21 = tpu.memref_slice %arg5[%dma_start3A_14, %dma_start3A_20] : memref<200x128xi32, #tpu.memory_space<vmem>> -> memref<1x128xi32, #tpu.memory_space<vmem>>
    %dma_start3A_22 = tpu.memref_squeeze %dma_start3A_21 : memref<1x128xi32, #tpu.memory_space<vmem>> -> memref<128xi32, #tpu.memory_space<vmem>>
    %dma_start3A_23 = arith.constant 0 : i32
    %dma_start3A_24 = arith.constant 0 : i32
    %dma_start3A_25 = tpu.memref_slice %arg2[%dma_start3A_23, %dma_start3A_24] : memref<1000000x128xf32, #tpu.memory_space<hbm>> -> memref<1000000x128xf32, #tpu.memory_space<hbm>>
    tpu.enqueue_indirect_dma source(%dma_start3A_25 : memref<1000000x128xf32, #tpu.memory_space<hbm>>) target(%dma_start3A_19 : memref<128x128xf32, #tpu.memory_space<vmem>>) offsets(%dma_start3A_22 : memref<128xi32, #tpu.memory_space<vmem>>) semaphore(%arg8 : memref<!tpu.dma_semaphore, #tpu.memory_space<semaphore_mem>>)
    %dma_start3A_26 = arith.constant 2 : i32
    %dma_start3A_27 = arith.constant 2 : i32
    %dma_start3A_28 = arith.constant 0 : i32
    %dma_start3A_29 = arith.constant 0 : i32
    %dma_start3A_30 = tpu.memref_slice %arg6[%dma_start3A_27, %dma_start3A_28, %dma_start3A_29] : memref<4x128x128xf32, #tpu.memory_space<vmem>> -> memref<1x128x128xf32, #tpu.memory_space<vmem>>
    %dma_start3A_31 = tpu.memref_squeeze %dma_start3A_30 : memref<1x128x128xf32, #tpu.memory_space<vmem>> -> memref<128x128xf32, #tpu.memory_space<vmem>>
    %dma_start3A_32 = arith.constant 0 : i32
    %dma_start3A_33 = tpu.memref_slice %arg5[%dma_start3A_26, %dma_start3A_32] : memref<200x128xi32, #tpu.memory_space<vmem>> -> memref<1x128xi32, #tpu.memory_space<vmem>>
    %dma_start3A_34 = tpu.memref_squeeze %dma_start3A_33 : memref<1x128xi32, #tpu.memory_space<vmem>> -> memref<128xi32, #tpu.memory_space<vmem>>
    %dma_start3A_35 = arith.constant 0 : i32
    %dma_start3A_36 = arith.constant 0 : i32
    %dma_start3A_37 = tpu.memref_slice %arg2[%dma_start3A_35, %dma_start3A_36] : memref<1000000x128xf32, #tpu.memory_space<hbm>> -> memref<1000000x128xf32, #tpu.memory_space<hbm>>
    tpu.enqueue_indirect_dma source(%dma_start3A_37 : memref<1000000x128xf32, #tpu.memory_space<hbm>>) target(%dma_start3A_31 : memref<128x128xf32, #tpu.memory_space<vmem>>) offsets(%dma_start3A_34 : memref<128xi32, #tpu.memory_space<vmem>>) semaphore(%arg9 : memref<!tpu.dma_semaphore, #tpu.memory_space<semaphore_mem>>)
    %dma_start3A_38 = arith.constant 3 : i32
    %dma_start3A_39 = arith.constant 3 : i32
    %dma_start3A_40 = arith.constant 0 : i32
    %dma_start3A_41 = arith.constant 0 : i32
    %dma_start3A_42 = tpu.memref_slice %arg6[%dma_start3A_39, %dma_start3A_40, %dma_start3A_41] : memref<4x128x128xf32, #tpu.memory_space<vmem>> -> memref<1x128x128xf32, #tpu.memory_space<vmem>>
    %dma_start3A_43 = tpu.memref_squeeze %dma_start3A_42 : memref<1x128x128xf32, #tpu.memory_space<vmem>> -> memref<128x128xf32, #tpu.memory_space<vmem>>
    %dma_start3A_44 = arith.constant 0 : i32
    %dma_start3A_45 = tpu.memref_slice %arg5[%dma_start3A_38, %dma_start3A_44] : memref<200x128xi32, #tpu.memory_space<vmem>> -> memref<1x128xi32, #tpu.memory_space<vmem>>
    %dma_start3A_46 = tpu.memref_squeeze %dma_start3A_45 : memref<1x128xi32, #tpu.memory_space<vmem>> -> memref<128xi32, #tpu.memory_space<vmem>>
    %dma_start3A_47 = arith.constant 0 : i32
    %dma_start3A_48 = arith.constant 0 : i32
    %dma_start3A_49 = tpu.memref_slice %arg2[%dma_start3A_47, %dma_start3A_48] : memref<1000000x128xf32, #tpu.memory_space<hbm>> -> memref<1000000x128xf32, #tpu.memory_space<hbm>>
    tpu.enqueue_indirect_dma source(%dma_start3A_49 : memref<1000000x128xf32, #tpu.memory_space<hbm>>) target(%dma_start3A_43 : memref<128x128xf32, #tpu.memory_space<vmem>>) offsets(%dma_start3A_46 : memref<128xi32, #tpu.memory_space<vmem>>) semaphore(%arg10 : memref<!tpu.dma_semaphore, #tpu.memory_space<semaphore_mem>>)
    %scan3A = arith.constant 0 : i32
    %scan3A_50 = arith.constant 49 : i32
    %scan3A_51 = arith.addi %scan3A, %scan3A_50 : i32
    %scan3A_52 = arith.constant 1 : i32
    scf.for %scan3A_221 = %scan3A to %scan3A_51 step %scan3A_52  : i32 {
      %mul3A_222 = arith.constant 1 : i32
      %mul3A_223 = arith.muli %scan3A_221, %mul3A_222 : i32
      %add3A_224 = arith.constant 0 : i32
      %add3A_225 = arith.addi %add3A_224, %mul3A_223 : i32
      %mul3A_226 = arith.constant 4 : i32
      %mul3A_227 = arith.muli %add3A_225, %mul3A_226 : i32
      %add3A_228 = arith.constant 0 : i32
      %add3A_229 = arith.addi %mul3A_227, %add3A_228 : i32
      %mul3A_230 = arith.constant 128 : i32
      %mul3A_231 = arith.muli %add3A_229, %mul3A_230 : i32
      %add3A_232 = arith.addi %mul3A_2, %mul3A_231 : i32
      %dma_wait3A_233 = arith.constant 0 : i32
      %dma_wait3A_234 = arith.constant 0 : i32
      %dma_wait3A_235 = arith.constant 0 : i32
      %dma_wait3A_236 = tpu.memref_slice %arg6[%dma_wait3A_233, %dma_wait3A_234, %dma_wait3A_235] : memref<4x128x128xf32, #tpu.memory_space<vmem>> -> memref<1x128x128xf32, #tpu.memory_space<vmem>>
      %dma_wait3A_237 = tpu.memref_squeeze %dma_wait3A_236 : memref<1x128x128xf32, #tpu.memory_space<vmem>> -> memref<128x128xf32, #tpu.memory_space<vmem>>
      %dma_wait3A_238 = arith.constant 0 : i32
      %dma_wait3A_239 = tpu.memref_slice %arg5[%add3A_229, %dma_wait3A_238] : memref<200x128xi32, #tpu.memory_space<vmem>> -> memref<1x128xi32, #tpu.memory_space<vmem>>
      %dma_wait3A_240 = tpu.memref_squeeze %dma_wait3A_239 : memref<1x128xi32, #tpu.memory_space<vmem>> -> memref<128xi32, #tpu.memory_space<vmem>>
      %dma_wait3A_241 = arith.constant 0 : i32
      %dma_wait3A_242 = arith.constant 0 : i32
      %dma_wait3A_243 = tpu.memref_slice %arg2[%dma_wait3A_241, %dma_wait3A_242] : memref<1000000x128xf32, #tpu.memory_space<hbm>> -> memref<1000000x128xf32, #tpu.memory_space<hbm>>
      tpu.wait_indirect_dma semaphore(%arg7 : memref<!tpu.dma_semaphore, #tpu.memory_space<semaphore_mem>>) src(%dma_wait3A_243 : memref<1000000x128xf32, #tpu.memory_space<hbm>>) dst(%dma_wait3A_237 : memref<128x128xf32, #tpu.memory_space<vmem>>)
      %dma_start3A_244 = arith.constant 0 : i32
      %dma_start3A_245 = arith.constant 0 : i32
      %dma_start3A_246 = arith.constant 0 : i32
      %dma_start3A_247 = tpu.memref_slice %arg6[%dma_start3A_244, %dma_start3A_245, %dma_start3A_246] : memref<4x128x128xf32, #tpu.memory_space<vmem>> -> memref<1x128x128xf32, #tpu.memory_space<vmem>>
      %dma_start3A_248 = tpu.memref_squeeze %dma_start3A_247 : memref<1x128x128xf32, #tpu.memory_space<vmem>> -> memref<128x128xf32, #tpu.memory_space<vmem>>
      %dma_start3A_249 = arith.constant 0 : i32
      %dma_start3A_250 = tpu.memref_slice %arg4[%add3A_232, %dma_start3A_249] : memref<819200x128xf32, #tpu.memory_space<hbm>> -> memref<128x128xf32, #tpu.memory_space<hbm>>
      %dma_start3A_251 = arith.constant 0 : i32
      %dma_start3A_252 = tpu.memref_slice %arg4[%add3A_232, %dma_start3A_251] : memref<819200x128xf32, #tpu.memory_space<hbm>> -> memref<128x128xf32, #tpu.memory_space<hbm>>
      %dma_start3A_253 = arith.constant 0 : i32
      %dma_start3A_254 = arith.constant 0 : i32
      %dma_start3A_255 = tpu.memref_slice %arg6[%dma_start3A_244, %dma_start3A_253, %dma_start3A_254] : memref<4x128x128xf32, #tpu.memory_space<vmem>> -> memref<1x128x128xf32, #tpu.memory_space<vmem>>
      %dma_start3A_256 = tpu.memref_squeeze %dma_start3A_255 : memref<1x128x128xf32, #tpu.memory_space<vmem>> -> memref<128x128xf32, #tpu.memory_space<vmem>>
      tpu.enqueue_dma source(%dma_start3A_256 : memref<128x128xf32, #tpu.memory_space<vmem>>) target(%dma_start3A_252 : memref<128x128xf32, #tpu.memory_space<hbm>>) target_semaphore(%arg11 : memref<!tpu.dma_semaphore, #tpu.memory_space<semaphore_mem>>)
      %dma_wait3A_257 = arith.constant 0 : i32
      %dma_wait3A_258 = arith.constant 0 : i32
      %dma_wait3A_259 = arith.constant 0 : i32
      %dma_wait3A_260 = tpu.memref_slice %arg6[%dma_wait3A_257, %dma_wait3A_258, %dma_wait3A_259] : memref<4x128x128xf32, #tpu.memory_space<vmem>> -> memref<1x128x128xf32, #tpu.memory_space<vmem>>
      %dma_wait3A_261 = tpu.memref_squeeze %dma_wait3A_260 : memref<1x128x128xf32, #tpu.memory_space<vmem>> -> memref<128x128xf32, #tpu.memory_space<vmem>>
      %dma_wait3A_262 = arith.constant 0 : i32
      %dma_wait3A_263 = tpu.memref_slice %arg4[%add3A_232, %dma_wait3A_262] : memref<819200x128xf32, #tpu.memory_space<hbm>> -> memref<128x128xf32, #tpu.memory_space<hbm>>
      %dma_wait3A_264 = arith.constant 0 : i32
      %dma_wait3A_265 = tpu.memref_slice %arg4[%add3A_232, %dma_wait3A_264] : memref<819200x128xf32, #tpu.memory_space<hbm>> -> memref<128x128xf32, #tpu.memory_space<hbm>>
      %dma_wait3A_266 = arith.constant 0 : i32
      %dma_wait3A_267 = arith.constant 0 : i32
      %dma_wait3A_268 = tpu.memref_slice %arg6[%dma_wait3A_257, %dma_wait3A_266, %dma_wait3A_267] : memref<4x128x128xf32, #tpu.memory_space<vmem>> -> memref<1x128x128xf32, #tpu.memory_space<vmem>>
      %dma_wait3A_269 = tpu.memref_squeeze %dma_wait3A_268 : memref<1x128x128xf32, #tpu.memory_space<vmem>> -> memref<128x128xf32, #tpu.memory_space<vmem>>
      tpu.wait_dma2 semaphore(%arg11 : memref<!tpu.dma_semaphore, #tpu.memory_space<semaphore_mem>>) src(%dma_wait3A_269 : memref<128x128xf32, #tpu.memory_space<vmem>>) dst(%dma_wait3A_265 : memref<128x128xf32, #tpu.memory_space<hbm>>)
      %add3A_270 = arith.constant 4 : i32
      %add3A_271 = arith.addi %add3A_229, %add3A_270 : i32
      %dma_start3A_272 = arith.constant 0 : i32
      %dma_start3A_273 = arith.constant 0 : i32
      %dma_start3A_274 = arith.constant 0 : i32
      %dma_start3A_275 = tpu.memref_slice %arg6[%dma_start3A_272, %dma_start3A_273, %dma_start3A_274] : memref<4x128x128xf32, #tpu.memory_space<vmem>> -> memref<1x128x128xf32, #tpu.memory_space<vmem>>
      %dma_start3A_276 = tpu.memref_squeeze %dma_start3A_275 : memref<1x128x128xf32, #tpu.memory_space<vmem>> -> memref<128x128xf32, #tpu.memory_space<vmem>>
      %dma_start3A_277 = arith.constant 0 : i32
      %dma_start3A_278 = tpu.memref_slice %arg5[%add3A_271, %dma_start3A_277] : memref<200x128xi32, #tpu.memory_space<vmem>> -> memref<1x128xi32, #tpu.memory_space<vmem>>
      %dma_start3A_279 = tpu.memref_squeeze %dma_start3A_278 : memref<1x128xi32, #tpu.memory_space<vmem>> -> memref<128xi32, #tpu.memory_space<vmem>>
      %dma_start3A_280 = arith.constant 0 : i32
      %dma_start3A_281 = arith.constant 0 : i32
      %dma_start3A_282 = tpu.memref_slice %arg2[%dma_start3A_280, %dma_start3A_281] : memref<1000000x128xf32, #tpu.memory_space<hbm>> -> memref<1000000x128xf32, #tpu.memory_space<hbm>>
      tpu.enqueue_indirect_dma source(%dma_start3A_282 : memref<1000000x128xf32, #tpu.memory_space<hbm>>) target(%dma_start3A_276 : memref<128x128xf32, #tpu.memory_space<vmem>>) offsets(%dma_start3A_279 : memref<128xi32, #tpu.memory_space<vmem>>) semaphore(%arg7 : memref<!tpu.dma_semaphore, #tpu.memory_space<semaphore_mem>>)
      %mul3A_283 = arith.constant 4 : i32
      %mul3A_284 = arith.muli %add3A_225, %mul3A_283 : i32
      %add3A_285 = arith.constant 1 : i32
      %add3A_286 = arith.addi %mul3A_284, %add3A_285 : i32
      %mul3A_287 = arith.constant 128 : i32
      %mul3A_288 = arith.muli %add3A_286, %mul3A_287 : i32
      %add3A_289 = arith.addi %mul3A_2, %mul3A_288 : i32
      %dma_wait3A_290 = arith.constant 1 : i32
      %dma_wait3A_291 = arith.constant 0 : i32
      %dma_wait3A_292 = arith.constant 0 : i32
      %dma_wait3A_293 = tpu.memref_slice %arg6[%dma_wait3A_290, %dma_wait3A_291, %dma_wait3A_292] : memref<4x128x128xf32, #tpu.memory_space<vmem>> -> memref<1x128x128xf32, #tpu.memory_space<vmem>>
      %dma_wait3A_294 = tpu.memref_squeeze %dma_wait3A_293 : memref<1x128x128xf32, #tpu.memory_space<vmem>> -> memref<128x128xf32, #tpu.memory_space<vmem>>
      %dma_wait3A_295 = arith.constant 0 : i32
      %dma_wait3A_296 = tpu.memref_slice %arg5[%add3A_286, %dma_wait3A_295] : memref<200x128xi32, #tpu.memory_space<vmem>> -> memref<1x128xi32, #tpu.memory_space<vmem>>
      %dma_wait3A_297 = tpu.memref_squeeze %dma_wait3A_296 : memref<1x128xi32, #tpu.memory_space<vmem>> -> memref<128xi32, #tpu.memory_space<vmem>>
      %dma_wait3A_298 = arith.constant 0 : i32
      %dma_wait3A_299 = arith.constant 0 : i32
      %dma_wait3A_300 = tpu.memref_slice %arg2[%dma_wait3A_298, %dma_wait3A_299] : memref<1000000x128xf32, #tpu.memory_space<hbm>> -> memref<1000000x128xf32, #tpu.memory_space<hbm>>
      tpu.wait_indirect_dma semaphore(%arg8 : memref<!tpu.dma_semaphore, #tpu.memory_space<semaphore_mem>>) src(%dma_wait3A_300 : memref<1000000x128xf32, #tpu.memory_space<hbm>>) dst(%dma_wait3A_294 : memref<128x128xf32, #tpu.memory_space<vmem>>)
      %dma_start3A_301 = arith.constant 1 : i32
      %dma_start3A_302 = arith.constant 0 : i32
      %dma_start3A_303 = arith.constant 0 : i32
      %dma_start3A_304 = tpu.memref_slice %arg6[%dma_start3A_301, %dma_start3A_302, %dma_start3A_303] : memref<4x128x128xf32, #tpu.memory_space<vmem>> -> memref<1x128x128xf32, #tpu.memory_space<vmem>>
      %dma_start3A_305 = tpu.memref_squeeze %dma_start3A_304 : memref<1x128x128xf32, #tpu.memory_space<vmem>> -> memref<128x128xf32, #tpu.memory_space<vmem>>
      %dma_start3A_306 = arith.constant 0 : i32
      %dma_start3A_307 = tpu.memref_slice %arg4[%add3A_289, %dma_start3A_306] : memref<819200x128xf32, #tpu.memory_space<hbm>> -> memref<128x128xf32, #tpu.memory_space<hbm>>
      %dma_start3A_308 = arith.constant 0 : i32
      %dma_start3A_309 = tpu.memref_slice %arg4[%add3A_289, %dma_start3A_308] : memref<819200x128xf32, #tpu.memory_space<hbm>> -> memref<128x128xf32, #tpu.memory_space<hbm>>
      %dma_start3A_310 = arith.constant 0 : i32
      %dma_start3A_311 = arith.constant 0 : i32
      %dma_start3A_312 = tpu.memref_slice %arg6[%dma_start3A_301, %dma_start3A_310, %dma_start3A_311] : memref<4x128x128xf32, #tpu.memory_space<vmem>> -> memref<1x128x128xf32, #tpu.memory_space<vmem>>
      %dma_start3A_313 = tpu.memref_squeeze %dma_start3A_312 : memref<1x128x128xf32, #tpu.memory_space<vmem>> -> memref<128x128xf32, #tpu.memory_space<vmem>>
      tpu.enqueue_dma source(%dma_start3A_313 : memref<128x128xf32, #tpu.memory_space<vmem>>) target(%dma_start3A_309 : memref<128x128xf32, #tpu.memory_space<hbm>>) target_semaphore(%arg12 : memref<!tpu.dma_semaphore, #tpu.memory_space<semaphore_mem>>)
      %dma_wait3A_314 = arith.constant 1 : i32
      %dma_wait3A_315 = arith.constant 0 : i32
      %dma_wait3A_316 = arith.constant 0 : i32
      %dma_wait3A_317 = tpu.memref_slice %arg6[%dma_wait3A_314, %dma_wait3A_315, %dma_wait3A_316] : memref<4x128x128xf32, #tpu.memory_space<vmem>> -> memref<1x128x128xf32, #tpu.memory_space<vmem>>
      %dma_wait3A_318 = tpu.memref_squeeze %dma_wait3A_317 : memref<1x128x128xf32, #tpu.memory_space<vmem>> -> memref<128x128xf32, #tpu.memory_space<vmem>>
      %dma_wait3A_319 = arith.constant 0 : i32
      %dma_wait3A_320 = tpu.memref_slice %arg4[%add3A_289, %dma_wait3A_319] : memref<819200x128xf32, #tpu.memory_space<hbm>> -> memref<128x128xf32, #tpu.memory_space<hbm>>
      %dma_wait3A_321 = arith.constant 0 : i32
      %dma_wait3A_322 = tpu.memref_slice %arg4[%add3A_289, %dma_wait3A_321] : memref<819200x128xf32, #tpu.memory_space<hbm>> -> memref<128x128xf32, #tpu.memory_space<hbm>>
      %dma_wait3A_323 = arith.constant 0 : i32
      %dma_wait3A_324 = arith.constant 0 : i32
      %dma_wait3A_325 = tpu.memref_slice %arg6[%dma_wait3A_314, %dma_wait3A_323, %dma_wait3A_324] : memref<4x128x128xf32, #tpu.memory_space<vmem>> -> memref<1x128x128xf32, #tpu.memory_space<vmem>>
      %dma_wait3A_326 = tpu.memref_squeeze %dma_wait3A_325 : memref<1x128x128xf32, #tpu.memory_space<vmem>> -> memref<128x128xf32, #tpu.memory_space<vmem>>
      tpu.wait_dma2 semaphore(%arg12 : memref<!tpu.dma_semaphore, #tpu.memory_space<semaphore_mem>>) src(%dma_wait3A_326 : memref<128x128xf32, #tpu.memory_space<vmem>>) dst(%dma_wait3A_322 : memref<128x128xf32, #tpu.memory_space<hbm>>)
      %add3A_327 = arith.constant 4 : i32
      %add3A_328 = arith.addi %add3A_286, %add3A_327 : i32
      %dma_start3A_329 = arith.constant 1 : i32
      %dma_start3A_330 = arith.constant 0 : i32
      %dma_start3A_331 = arith.constant 0 : i32
      %dma_start3A_332 = tpu.memref_slice %arg6[%dma_start3A_329, %dma_start3A_330, %dma_start3A_331] : memref<4x128x128xf32, #tpu.memory_space<vmem>> -> memref<1x128x128xf32, #tpu.memory_space<vmem>>
      %dma_start3A_333 = tpu.memref_squeeze %dma_start3A_332 : memref<1x128x128xf32, #tpu.memory_space<vmem>> -> memref<128x128xf32, #tpu.memory_space<vmem>>
      %dma_start3A_334 = arith.constant 0 : i32
      %dma_start3A_335 = tpu.memref_slice %arg5[%add3A_328, %dma_start3A_334] : memref<200x128xi32, #tpu.memory_space<vmem>> -> memref<1x128xi32, #tpu.memory_space<vmem>>
      %dma_start3A_336 = tpu.memref_squeeze %dma_start3A_335 : memref<1x128xi32, #tpu.memory_space<vmem>> -> memref<128xi32, #tpu.memory_space<vmem>>
      %dma_start3A_337 = arith.constant 0 : i32
      %dma_start3A_338 = arith.constant 0 : i32
      %dma_start3A_339 = tpu.memref_slice %arg2[%dma_start3A_337, %dma_start3A_338] : memref<1000000x128xf32, #tpu.memory_space<hbm>> -> memref<1000000x128xf32, #tpu.memory_space<hbm>>
      tpu.enqueue_indirect_dma source(%dma_start3A_339 : memref<1000000x128xf32, #tpu.memory_space<hbm>>) target(%dma_start3A_333 : memref<128x128xf32, #tpu.memory_space<vmem>>) offsets(%dma_start3A_336 : memref<128xi32, #tpu.memory_space<vmem>>) semaphore(%arg8 : memref<!tpu.dma_semaphore, #tpu.memory_space<semaphore_mem>>)
      %mul3A_340 = arith.constant 4 : i32
      %mul3A_341 = arith.muli %add3A_225, %mul3A_340 : i32
      %add3A_342 = arith.constant 2 : i32
      %add3A_343 = arith.addi %mul3A_341, %add3A_342 : i32
      %mul3A_344 = arith.constant 128 : i32
      %mul3A_345 = arith.muli %add3A_343, %mul3A_344 : i32
      %add3A_346 = arith.addi %mul3A_2, %mul3A_345 : i32
      %dma_wait3A_347 = arith.constant 2 : i32
      %dma_wait3A_348 = arith.constant 0 : i32
      %dma_wait3A_349 = arith.constant 0 : i32
      %dma_wait3A_350 = tpu.memref_slice %arg6[%dma_wait3A_347, %dma_wait3A_348, %dma_wait3A_349] : memref<4x128x128xf32, #tpu.memory_space<vmem>> -> memref<1x128x128xf32, #tpu.memory_space<vmem>>
      %dma_wait3A_351 = tpu.memref_squeeze %dma_wait3A_350 : memref<1x128x128xf32, #tpu.memory_space<vmem>> -> memref<128x128xf32, #tpu.memory_space<vmem>>
      %dma_wait3A_352 = arith.constant 0 : i32
      %dma_wait3A_353 = tpu.memref_slice %arg5[%add3A_343, %dma_wait3A_352] : memref<200x128xi32, #tpu.memory_space<vmem>> -> memref<1x128xi32, #tpu.memory_space<vmem>>
      %dma_wait3A_354 = tpu.memref_squeeze %dma_wait3A_353 : memref<1x128xi32, #tpu.memory_space<vmem>> -> memref<128xi32, #tpu.memory_space<vmem>>
      %dma_wait3A_355 = arith.constant 0 : i32
      %dma_wait3A_356 = arith.constant 0 : i32
      %dma_wait3A_357 = tpu.memref_slice %arg2[%dma_wait3A_355, %dma_wait3A_356] : memref<1000000x128xf32, #tpu.memory_space<hbm>> -> memref<1000000x128xf32, #tpu.memory_space<hbm>>
      tpu.wait_indirect_dma semaphore(%arg9 : memref<!tpu.dma_semaphore, #tpu.memory_space<semaphore_mem>>) src(%dma_wait3A_357 : memref<1000000x128xf32, #tpu.memory_space<hbm>>) dst(%dma_wait3A_351 : memref<128x128xf32, #tpu.memory_space<vmem>>)
      %dma_start3A_358 = arith.constant 2 : i32
      %dma_start3A_359 = arith.constant 0 : i32
      %dma_start3A_360 = arith.constant 0 : i32
      %dma_start3A_361 = tpu.memref_slice %arg6[%dma_start3A_358, %dma_start3A_359, %dma_start3A_360] : memref<4x128x128xf32, #tpu.memory_space<vmem>> -> memref<1x128x128xf32, #tpu.memory_space<vmem>>
      %dma_start3A_362 = tpu.memref_squeeze %dma_start3A_361 : memref<1x128x128xf32, #tpu.memory_space<vmem>> -> memref<128x128xf32, #tpu.memory_space<vmem>>
      %dma_start3A_363 = arith.constant 0 : i32
      %dma_start3A_364 = tpu.memref_slice %arg4[%add3A_346, %dma_start3A_363] : memref<819200x128xf32, #tpu.memory_space<hbm>> -> memref<128x128xf32, #tpu.memory_space<hbm>>
      %dma_start3A_365 = arith.constant 0 : i32
      %dma_start3A_366 = tpu.memref_slice %arg4[%add3A_346, %dma_start3A_365] : memref<819200x128xf32, #tpu.memory_space<hbm>> -> memref<128x128xf32, #tpu.memory_space<hbm>>
      %dma_start3A_367 = arith.constant 0 : i32
      %dma_start3A_368 = arith.constant 0 : i32
      %dma_start3A_369 = tpu.memref_slice %arg6[%dma_start3A_358, %dma_start3A_367, %dma_start3A_368] : memref<4x128x128xf32, #tpu.memory_space<vmem>> -> memref<1x128x128xf32, #tpu.memory_space<vmem>>
      %dma_start3A_370 = tpu.memref_squeeze %dma_start3A_369 : memref<1x128x128xf32, #tpu.memory_space<vmem>> -> memref<128x128xf32, #tpu.memory_space<vmem>>
      tpu.enqueue_dma source(%dma_start3A_370 : memref<128x128xf32, #tpu.memory_space<vmem>>) target(%dma_start3A_366 : memref<128x128xf32, #tpu.memory_space<hbm>>) target_semaphore(%arg13 : memref<!tpu.dma_semaphore, #tpu.memory_space<semaphore_mem>>)
      %dma_wait3A_371 = arith.constant 2 : i32
      %dma_wait3A_372 = arith.constant 0 : i32
      %dma_wait3A_373 = arith.constant 0 : i32
      %dma_wait3A_374 = tpu.memref_slice %arg6[%dma_wait3A_371, %dma_wait3A_372, %dma_wait3A_373] : memref<4x128x128xf32, #tpu.memory_space<vmem>> -> memref<1x128x128xf32, #tpu.memory_space<vmem>>
      %dma_wait3A_375 = tpu.memref_squeeze %dma_wait3A_374 : memref<1x128x128xf32, #tpu.memory_space<vmem>> -> memref<128x128xf32, #tpu.memory_space<vmem>>
      %dma_wait3A_376 = arith.constant 0 : i32
      %dma_wait3A_377 = tpu.memref_slice %arg4[%add3A_346, %dma_wait3A_376] : memref<819200x128xf32, #tpu.memory_space<hbm>> -> memref<128x128xf32, #tpu.memory_space<hbm>>
      %dma_wait3A_378 = arith.constant 0 : i32
      %dma_wait3A_379 = tpu.memref_slice %arg4[%add3A_346, %dma_wait3A_378] : memref<819200x128xf32, #tpu.memory_space<hbm>> -> memref<128x128xf32, #tpu.memory_space<hbm>>
      %dma_wait3A_380 = arith.constant 0 : i32
      %dma_wait3A_381 = arith.constant 0 : i32
      %dma_wait3A_382 = tpu.memref_slice %arg6[%dma_wait3A_371, %dma_wait3A_380, %dma_wait3A_381] : memref<4x128x128xf32, #tpu.memory_space<vmem>> -> memref<1x128x128xf32, #tpu.memory_space<vmem>>
      %dma_wait3A_383 = tpu.memref_squeeze %dma_wait3A_382 : memref<1x128x128xf32, #tpu.memory_space<vmem>> -> memref<128x128xf32, #tpu.memory_space<vmem>>
      tpu.wait_dma2 semaphore(%arg13 : memref<!tpu.dma_semaphore, #tpu.memory_space<semaphore_mem>>) src(%dma_wait3A_383 : memref<128x128xf32, #tpu.memory_space<vmem>>) dst(%dma_wait3A_379 : memref<128x128xf32, #tpu.memory_space<hbm>>)
      %add3A_384 = arith.constant 4 : i32
      %add3A_385 = arith.addi %add3A_343, %add3A_384 : i32
      %dma_start3A_386 = arith.constant 2 : i32
      %dma_start3A_387 = arith.constant 0 : i32
      %dma_start3A_388 = arith.constant 0 : i32
      %dma_start3A_389 = tpu.memref_slice %arg6[%dma_start3A_386, %dma_start3A_387, %dma_start3A_388] : memref<4x128x128xf32, #tpu.memory_space<vmem>> -> memref<1x128x128xf32, #tpu.memory_space<vmem>>
      %dma_start3A_390 = tpu.memref_squeeze %dma_start3A_389 : memref<1x128x128xf32, #tpu.memory_space<vmem>> -> memref<128x128xf32, #tpu.memory_space<vmem>>
      %dma_start3A_391 = arith.constant 0 : i32
      %dma_start3A_392 = tpu.memref_slice %arg5[%add3A_385, %dma_start3A_391] : memref<200x128xi32, #tpu.memory_space<vmem>> -> memref<1x128xi32, #tpu.memory_space<vmem>>
      %dma_start3A_393 = tpu.memref_squeeze %dma_start3A_392 : memref<1x128xi32, #tpu.memory_space<vmem>> -> memref<128xi32, #tpu.memory_space<vmem>>
      %dma_start3A_394 = arith.constant 0 : i32
      %dma_start3A_395 = arith.constant 0 : i32
      %dma_start3A_396 = tpu.memref_slice %arg2[%dma_start3A_394, %dma_start3A_395] : memref<1000000x128xf32, #tpu.memory_space<hbm>> -> memref<1000000x128xf32, #tpu.memory_space<hbm>>
      tpu.enqueue_indirect_dma source(%dma_start3A_396 : memref<1000000x128xf32, #tpu.memory_space<hbm>>) target(%dma_start3A_390 : memref<128x128xf32, #tpu.memory_space<vmem>>) offsets(%dma_start3A_393 : memref<128xi32, #tpu.memory_space<vmem>>) semaphore(%arg9 : memref<!tpu.dma_semaphore, #tpu.memory_space<semaphore_mem>>)
      %mul3A_397 = arith.constant 4 : i32
      %mul3A_398 = arith.muli %add3A_225, %mul3A_397 : i32
      %add3A_399 = arith.constant 3 : i32
      %add3A_400 = arith.addi %mul3A_398, %add3A_399 : i32
      %mul3A_401 = arith.constant 128 : i32
      %mul3A_402 = arith.muli %add3A_400, %mul3A_401 : i32
      %add3A_403 = arith.addi %mul3A_2, %mul3A_402 : i32
      %dma_wait3A_404 = arith.constant 3 : i32
      %dma_wait3A_405 = arith.constant 0 : i32
      %dma_wait3A_406 = arith.constant 0 : i32
      %dma_wait3A_407 = tpu.memref_slice %arg6[%dma_wait3A_404, %dma_wait3A_405, %dma_wait3A_406] : memref<4x128x128xf32, #tpu.memory_space<vmem>> -> memref<1x128x128xf32, #tpu.memory_space<vmem>>
      %dma_wait3A_408 = tpu.memref_squeeze %dma_wait3A_407 : memref<1x128x128xf32, #tpu.memory_space<vmem>> -> memref<128x128xf32, #tpu.memory_space<vmem>>
      %dma_wait3A_409 = arith.constant 0 : i32
      %dma_wait3A_410 = tpu.memref_slice %arg5[%add3A_400, %dma_wait3A_409] : memref<200x128xi32, #tpu.memory_space<vmem>> -> memref<1x128xi32, #tpu.memory_space<vmem>>
      %dma_wait3A_411 = tpu.memref_squeeze %dma_wait3A_410 : memref<1x128xi32, #tpu.memory_space<vmem>> -> memref<128xi32, #tpu.memory_space<vmem>>
      %dma_wait3A_412 = arith.constant 0 : i32
      %dma_wait3A_413 = arith.constant 0 : i32
      %dma_wait3A_414 = tpu.memref_slice %arg2[%dma_wait3A_412, %dma_wait3A_413] : memref<1000000x128xf32, #tpu.memory_space<hbm>> -> memref<1000000x128xf32, #tpu.memory_space<hbm>>
      tpu.wait_indirect_dma semaphore(%arg10 : memref<!tpu.dma_semaphore, #tpu.memory_space<semaphore_mem>>) src(%dma_wait3A_414 : memref<1000000x128xf32, #tpu.memory_space<hbm>>) dst(%dma_wait3A_408 : memref<128x128xf32, #tpu.memory_space<vmem>>)
      %dma_start3A_415 = arith.constant 3 : i32
      %dma_start3A_416 = arith.constant 0 : i32
      %dma_start3A_417 = arith.constant 0 : i32
      %dma_start3A_418 = tpu.memref_slice %arg6[%dma_start3A_415, %dma_start3A_416, %dma_start3A_417] : memref<4x128x128xf32, #tpu.memory_space<vmem>> -> memref<1x128x128xf32, #tpu.memory_space<vmem>>
      %dma_start3A_419 = tpu.memref_squeeze %dma_start3A_418 : memref<1x128x128xf32, #tpu.memory_space<vmem>> -> memref<128x128xf32, #tpu.memory_space<vmem>>
      %dma_start3A_420 = arith.constant 0 : i32
      %dma_start3A_421 = tpu.memref_slice %arg4[%add3A_403, %dma_start3A_420] : memref<819200x128xf32, #tpu.memory_space<hbm>> -> memref<128x128xf32, #tpu.memory_space<hbm>>
      %dma_start3A_422 = arith.constant 0 : i32
      %dma_start3A_423 = tpu.memref_slice %arg4[%add3A_403, %dma_start3A_422] : memref<819200x128xf32, #tpu.memory_space<hbm>> -> memref<128x128xf32, #tpu.memory_space<hbm>>
      %dma_start3A_424 = arith.constant 0 : i32
      %dma_start3A_425 = arith.constant 0 : i32
      %dma_start3A_426 = tpu.memref_slice %arg6[%dma_start3A_415, %dma_start3A_424, %dma_start3A_425] : memref<4x128x128xf32, #tpu.memory_space<vmem>> -> memref<1x128x128xf32, #tpu.memory_space<vmem>>
      %dma_start3A_427 = tpu.memref_squeeze %dma_start3A_426 : memref<1x128x128xf32, #tpu.memory_space<vmem>> -> memref<128x128xf32, #tpu.memory_space<vmem>>
      tpu.enqueue_dma source(%dma_start3A_427 : memref<128x128xf32, #tpu.memory_space<vmem>>) target(%dma_start3A_423 : memref<128x128xf32, #tpu.memory_space<hbm>>) target_semaphore(%arg14 : memref<!tpu.dma_semaphore, #tpu.memory_space<semaphore_mem>>)
      %dma_wait3A_428 = arith.constant 3 : i32
      %dma_wait3A_429 = arith.constant 0 : i32
      %dma_wait3A_430 = arith.constant 0 : i32
      %dma_wait3A_431 = tpu.memref_slice %arg6[%dma_wait3A_428, %dma_wait3A_429, %dma_wait3A_430] : memref<4x128x128xf32, #tpu.memory_space<vmem>> -> memref<1x128x128xf32, #tpu.memory_space<vmem>>
      %dma_wait3A_432 = tpu.memref_squeeze %dma_wait3A_431 : memref<1x128x128xf32, #tpu.memory_space<vmem>> -> memref<128x128xf32, #tpu.memory_space<vmem>>
      %dma_wait3A_433 = arith.constant 0 : i32
      %dma_wait3A_434 = tpu.memref_slice %arg4[%add3A_403, %dma_wait3A_433] : memref<819200x128xf32, #tpu.memory_space<hbm>> -> memref<128x128xf32, #tpu.memory_space<hbm>>
      %dma_wait3A_435 = arith.constant 0 : i32
      %dma_wait3A_436 = tpu.memref_slice %arg4[%add3A_403, %dma_wait3A_435] : memref<819200x128xf32, #tpu.memory_space<hbm>> -> memref<128x128xf32, #tpu.memory_space<hbm>>
      %dma_wait3A_437 = arith.constant 0 : i32
      %dma_wait3A_438 = arith.constant 0 : i32
      %dma_wait3A_439 = tpu.memref_slice %arg6[%dma_wait3A_428, %dma_wait3A_437, %dma_wait3A_438] : memref<4x128x128xf32, #tpu.memory_space<vmem>> -> memref<1x128x128xf32, #tpu.memory_space<vmem>>
      %dma_wait3A_440 = tpu.memref_squeeze %dma_wait3A_439 : memref<1x128x128xf32, #tpu.memory_space<vmem>> -> memref<128x128xf32, #tpu.memory_space<vmem>>
      tpu.wait_dma2 semaphore(%arg14 : memref<!tpu.dma_semaphore, #tpu.memory_space<semaphore_mem>>) src(%dma_wait3A_440 : memref<128x128xf32, #tpu.memory_space<vmem>>) dst(%dma_wait3A_436 : memref<128x128xf32, #tpu.memory_space<hbm>>)
      %add3A_441 = arith.constant 4 : i32
      %add3A_442 = arith.addi %add3A_400, %add3A_441 : i32
      %dma_start3A_443 = arith.constant 3 : i32
      %dma_start3A_444 = arith.constant 0 : i32
      %dma_start3A_445 = arith.constant 0 : i32
      %dma_start3A_446 = tpu.memref_slice %arg6[%dma_start3A_443, %dma_start3A_444, %dma_start3A_445] : memref<4x128x128xf32, #tpu.memory_space<vmem>> -> memref<1x128x128xf32, #tpu.memory_space<vmem>>
      %dma_start3A_447 = tpu.memref_squeeze %dma_start3A_446 : memref<1x128x128xf32, #tpu.memory_space<vmem>> -> memref<128x128xf32, #tpu.memory_space<vmem>>
      %dma_start3A_448 = arith.constant 0 : i32
      %dma_start3A_449 = tpu.memref_slice %arg5[%add3A_442, %dma_start3A_448] : memref<200x128xi32, #tpu.memory_space<vmem>> -> memref<1x128xi32, #tpu.memory_space<vmem>>
      %dma_start3A_450 = tpu.memref_squeeze %dma_start3A_449 : memref<1x128xi32, #tpu.memory_space<vmem>> -> memref<128xi32, #tpu.memory_space<vmem>>
      %dma_start3A_451 = arith.constant 0 : i32
      %dma_start3A_452 = arith.constant 0 : i32
      %dma_start3A_453 = tpu.memref_slice %arg2[%dma_start3A_451, %dma_start3A_452] : memref<1000000x128xf32, #tpu.memory_space<hbm>> -> memref<1000000x128xf32, #tpu.memory_space<hbm>>
      tpu.enqueue_indirect_dma source(%dma_start3A_453 : memref<1000000x128xf32, #tpu.memory_space<hbm>>) target(%dma_start3A_447 : memref<128x128xf32, #tpu.memory_space<vmem>>) offsets(%dma_start3A_450 : memref<128xi32, #tpu.memory_space<vmem>>) semaphore(%arg10 : memref<!tpu.dma_semaphore, #tpu.memory_space<semaphore_mem>>)
    }
    %scan3A_53 = arith.constant 49 : i32
    %add3A_54 = arith.constant 25088 : i32
    %add3A_55 = arith.addi %mul3A_2, %add3A_54 : i32
    %dma_wait3A = arith.constant 196 : i32
    %dma_wait3A_56 = arith.constant 0 : i32
    %dma_wait3A_57 = arith.constant 0 : i32
    %dma_wait3A_58 = arith.constant 0 : i32
    %dma_wait3A_59 = tpu.memref_slice %arg6[%dma_wait3A_56, %dma_wait3A_57, %dma_wait3A_58] : memref<4x128x128xf32, #tpu.memory_space<vmem>> -> memref<1x128x128xf32, #tpu.memory_space<vmem>>
    %dma_wait3A_60 = tpu.memref_squeeze %dma_wait3A_59 : memref<1x128x128xf32, #tpu.memory_space<vmem>> -> memref<128x128xf32, #tpu.memory_space<vmem>>
    %dma_wait3A_61 = arith.constant 0 : i32
    %dma_wait3A_62 = tpu.memref_slice %arg5[%dma_wait3A, %dma_wait3A_61] : memref<200x128xi32, #tpu.memory_space<vmem>> -> memref<1x128xi32, #tpu.memory_space<vmem>>
    %dma_wait3A_63 = tpu.memref_squeeze %dma_wait3A_62 : memref<1x128xi32, #tpu.memory_space<vmem>> -> memref<128xi32, #tpu.memory_space<vmem>>
    %dma_wait3A_64 = arith.constant 0 : i32
    %dma_wait3A_65 = arith.constant 0 : i32
    %dma_wait3A_66 = tpu.memref_slice %arg2[%dma_wait3A_64, %dma_wait3A_65] : memref<1000000x128xf32, #tpu.memory_space<hbm>> -> memref<1000000x128xf32, #tpu.memory_space<hbm>>
    tpu.wait_indirect_dma semaphore(%arg7 : memref<!tpu.dma_semaphore, #tpu.memory_space<semaphore_mem>>) src(%dma_wait3A_66 : memref<1000000x128xf32, #tpu.memory_space<hbm>>) dst(%dma_wait3A_60 : memref<128x128xf32, #tpu.memory_space<vmem>>)
    %dma_start3A_67 = arith.constant 0 : i32
    %dma_start3A_68 = arith.constant 0 : i32
    %dma_start3A_69 = arith.constant 0 : i32
    %dma_start3A_70 = tpu.memref_slice %arg6[%dma_start3A_67, %dma_start3A_68, %dma_start3A_69] : memref<4x128x128xf32, #tpu.memory_space<vmem>> -> memref<1x128x128xf32, #tpu.memory_space<vmem>>
    %dma_start3A_71 = tpu.memref_squeeze %dma_start3A_70 : memref<1x128x128xf32, #tpu.memory_space<vmem>> -> memref<128x128xf32, #tpu.memory_space<vmem>>
    %dma_start3A_72 = arith.constant 0 : i32
    %dma_start3A_73 = tpu.memref_slice %arg4[%add3A_55, %dma_start3A_72] : memref<819200x128xf32, #tpu.memory_space<hbm>> -> memref<128x128xf32, #tpu.memory_space<hbm>>
    %dma_start3A_74 = arith.constant 0 : i32
    %dma_start3A_75 = tpu.memref_slice %arg4[%add3A_55, %dma_start3A_74] : memref<819200x128xf32, #tpu.memory_space<hbm>> -> memref<128x128xf32, #tpu.memory_space<hbm>>
    %dma_start3A_76 = arith.constant 0 : i32
    %dma_start3A_77 = arith.constant 0 : i32
    %dma_start3A_78 = tpu.memref_slice %arg6[%dma_start3A_67, %dma_start3A_76, %dma_start3A_77] : memref<4x128x128xf32, #tpu.memory_space<vmem>> -> memref<1x128x128xf32, #tpu.memory_space<vmem>>
    %dma_start3A_79 = tpu.memref_squeeze %dma_start3A_78 : memref<1x128x128xf32, #tpu.memory_space<vmem>> -> memref<128x128xf32, #tpu.memory_space<vmem>>
    tpu.enqueue_dma source(%dma_start3A_79 : memref<128x128xf32, #tpu.memory_space<vmem>>) target(%dma_start3A_75 : memref<128x128xf32, #tpu.memory_space<hbm>>) target_semaphore(%arg11 : memref<!tpu.dma_semaphore, #tpu.memory_space<semaphore_mem>>)
    %add3A_80 = arith.constant 25216 : i32
    %add3A_81 = arith.addi %mul3A_2, %add3A_80 : i32
    %dma_wait3A_82 = arith.constant 197 : i32
    %dma_wait3A_83 = arith.constant 1 : i32
    %dma_wait3A_84 = arith.constant 0 : i32
    %dma_wait3A_85 = arith.constant 0 : i32
    %dma_wait3A_86 = tpu.memref_slice %arg6[%dma_wait3A_83, %dma_wait3A_84, %dma_wait3A_85] : memref<4x128x128xf32, #tpu.memory_space<vmem>> -> memref<1x128x128xf32, #tpu.memory_space<vmem>>
    %dma_wait3A_87 = tpu.memref_squeeze %dma_wait3A_86 : memref<1x128x128xf32, #tpu.memory_space<vmem>> -> memref<128x128xf32, #tpu.memory_space<vmem>>
    %dma_wait3A_88 = arith.constant 0 : i32
    %dma_wait3A_89 = tpu.memref_slice %arg5[%dma_wait3A_82, %dma_wait3A_88] : memref<200x128xi32, #tpu.memory_space<vmem>> -> memref<1x128xi32, #tpu.memory_space<vmem>>
    %dma_wait3A_90 = tpu.memref_squeeze %dma_wait3A_89 : memref<1x128xi32, #tpu.memory_space<vmem>> -> memref<128xi32, #tpu.memory_space<vmem>>
    %dma_wait3A_91 = arith.constant 0 : i32
    %dma_wait3A_92 = arith.constant 0 : i32
    %dma_wait3A_93 = tpu.memref_slice %arg2[%dma_wait3A_91, %dma_wait3A_92] : memref<1000000x128xf32, #tpu.memory_space<hbm>> -> memref<1000000x128xf32, #tpu.memory_space<hbm>>
    tpu.wait_indirect_dma semaphore(%arg8 : memref<!tpu.dma_semaphore, #tpu.memory_space<semaphore_mem>>) src(%dma_wait3A_93 : memref<1000000x128xf32, #tpu.memory_space<hbm>>) dst(%dma_wait3A_87 : memref<128x128xf32, #tpu.memory_space<vmem>>)
    %dma_start3A_94 = arith.constant 1 : i32
    %dma_start3A_95 = arith.constant 0 : i32
    %dma_start3A_96 = arith.constant 0 : i32
    %dma_start3A_97 = tpu.memref_slice %arg6[%dma_start3A_94, %dma_start3A_95, %dma_start3A_96] : memref<4x128x128xf32, #tpu.memory_space<vmem>> -> memref<1x128x128xf32, #tpu.memory_space<vmem>>
    %dma_start3A_98 = tpu.memref_squeeze %dma_start3A_97 : memref<1x128x128xf32, #tpu.memory_space<vmem>> -> memref<128x128xf32, #tpu.memory_space<vmem>>
    %dma_start3A_99 = arith.constant 0 : i32
    %dma_start3A_100 = tpu.memref_slice %arg4[%add3A_81, %dma_start3A_99] : memref<819200x128xf32, #tpu.memory_space<hbm>> -> memref<128x128xf32, #tpu.memory_space<hbm>>
    %dma_start3A_101 = arith.constant 0 : i32
    %dma_start3A_102 = tpu.memref_slice %arg4[%add3A_81, %dma_start3A_101] : memref<819200x128xf32, #tpu.memory_space<hbm>> -> memref<128x128xf32, #tpu.memory_space<hbm>>
    %dma_start3A_103 = arith.constant 0 : i32
    %dma_start3A_104 = arith.constant 0 : i32
    %dma_start3A_105 = tpu.memref_slice %arg6[%dma_start3A_94, %dma_start3A_103, %dma_start3A_104] : memref<4x128x128xf32, #tpu.memory_space<vmem>> -> memref<1x128x128xf32, #tpu.memory_space<vmem>>
    %dma_start3A_106 = tpu.memref_squeeze %dma_start3A_105 : memref<1x128x128xf32, #tpu.memory_space<vmem>> -> memref<128x128xf32, #tpu.memory_space<vmem>>
    tpu.enqueue_dma source(%dma_start3A_106 : memref<128x128xf32, #tpu.memory_space<vmem>>) target(%dma_start3A_102 : memref<128x128xf32, #tpu.memory_space<hbm>>) target_semaphore(%arg12 : memref<!tpu.dma_semaphore, #tpu.memory_space<semaphore_mem>>)
    %add3A_107 = arith.constant 25344 : i32
    %add3A_108 = arith.addi %mul3A_2, %add3A_107 : i32
    %dma_wait3A_109 = arith.constant 198 : i32
    %dma_wait3A_110 = arith.constant 2 : i32
    %dma_wait3A_111 = arith.constant 0 : i32
    %dma_wait3A_112 = arith.constant 0 : i32
    %dma_wait3A_113 = tpu.memref_slice %arg6[%dma_wait3A_110, %dma_wait3A_111, %dma_wait3A_112] : memref<4x128x128xf32, #tpu.memory_space<vmem>> -> memref<1x128x128xf32, #tpu.memory_space<vmem>>
    %dma_wait3A_114 = tpu.memref_squeeze %dma_wait3A_113 : memref<1x128x128xf32, #tpu.memory_space<vmem>> -> memref<128x128xf32, #tpu.memory_space<vmem>>
    %dma_wait3A_115 = arith.constant 0 : i32
    %dma_wait3A_116 = tpu.memref_slice %arg5[%dma_wait3A_109, %dma_wait3A_115] : memref<200x128xi32, #tpu.memory_space<vmem>> -> memref<1x128xi32, #tpu.memory_space<vmem>>
    %dma_wait3A_117 = tpu.memref_squeeze %dma_wait3A_116 : memref<1x128xi32, #tpu.memory_space<vmem>> -> memref<128xi32, #tpu.memory_space<vmem>>
    %dma_wait3A_118 = arith.constant 0 : i32
    %dma_wait3A_119 = arith.constant 0 : i32
    %dma_wait3A_120 = tpu.memref_slice %arg2[%dma_wait3A_118, %dma_wait3A_119] : memref<1000000x128xf32, #tpu.memory_space<hbm>> -> memref<1000000x128xf32, #tpu.memory_space<hbm>>
    tpu.wait_indirect_dma semaphore(%arg9 : memref<!tpu.dma_semaphore, #tpu.memory_space<semaphore_mem>>) src(%dma_wait3A_120 : memref<1000000x128xf32, #tpu.memory_space<hbm>>) dst(%dma_wait3A_114 : memref<128x128xf32, #tpu.memory_space<vmem>>)
    %dma_start3A_121 = arith.constant 2 : i32
    %dma_start3A_122 = arith.constant 0 : i32
    %dma_start3A_123 = arith.constant 0 : i32
    %dma_start3A_124 = tpu.memref_slice %arg6[%dma_start3A_121, %dma_start3A_122, %dma_start3A_123] : memref<4x128x128xf32, #tpu.memory_space<vmem>> -> memref<1x128x128xf32, #tpu.memory_space<vmem>>
    %dma_start3A_125 = tpu.memref_squeeze %dma_start3A_124 : memref<1x128x128xf32, #tpu.memory_space<vmem>> -> memref<128x128xf32, #tpu.memory_space<vmem>>
    %dma_start3A_126 = arith.constant 0 : i32
    %dma_start3A_127 = tpu.memref_slice %arg4[%add3A_108, %dma_start3A_126] : memref<819200x128xf32, #tpu.memory_space<hbm>> -> memref<128x128xf32, #tpu.memory_space<hbm>>
    %dma_start3A_128 = arith.constant 0 : i32
    %dma_start3A_129 = tpu.memref_slice %arg4[%add3A_108, %dma_start3A_128] : memref<819200x128xf32, #tpu.memory_space<hbm>> -> memref<128x128xf32, #tpu.memory_space<hbm>>
    %dma_start3A_130 = arith.constant 0 : i32
    %dma_start3A_131 = arith.constant 0 : i32
    %dma_start3A_132 = tpu.memref_slice %arg6[%dma_start3A_121, %dma_start3A_130, %dma_start3A_131] : memref<4x128x128xf32, #tpu.memory_space<vmem>> -> memref<1x128x128xf32, #tpu.memory_space<vmem>>
    %dma_start3A_133 = tpu.memref_squeeze %dma_start3A_132 : memref<1x128x128xf32, #tpu.memory_space<vmem>> -> memref<128x128xf32, #tpu.memory_space<vmem>>
    tpu.enqueue_dma source(%dma_start3A_133 : memref<128x128xf32, #tpu.memory_space<vmem>>) target(%dma_start3A_129 : memref<128x128xf32, #tpu.memory_space<hbm>>) target_semaphore(%arg13 : memref<!tpu.dma_semaphore, #tpu.memory_space<semaphore_mem>>)
    %add3A_134 = arith.constant 25472 : i32
    %add3A_135 = arith.addi %mul3A_2, %add3A_134 : i32
    %dma_wait3A_136 = arith.constant 199 : i32
    %dma_wait3A_137 = arith.constant 3 : i32
    %dma_wait3A_138 = arith.constant 0 : i32
    %dma_wait3A_139 = arith.constant 0 : i32
    %dma_wait3A_140 = tpu.memref_slice %arg6[%dma_wait3A_137, %dma_wait3A_138, %dma_wait3A_139] : memref<4x128x128xf32, #tpu.memory_space<vmem>> -> memref<1x128x128xf32, #tpu.memory_space<vmem>>
    %dma_wait3A_141 = tpu.memref_squeeze %dma_wait3A_140 : memref<1x128x128xf32, #tpu.memory_space<vmem>> -> memref<128x128xf32, #tpu.memory_space<vmem>>
    %dma_wait3A_142 = arith.constant 0 : i32
    %dma_wait3A_143 = tpu.memref_slice %arg5[%dma_wait3A_136, %dma_wait3A_142] : memref<200x128xi32, #tpu.memory_space<vmem>> -> memref<1x128xi32, #tpu.memory_space<vmem>>
    %dma_wait3A_144 = tpu.memref_squeeze %dma_wait3A_143 : memref<1x128xi32, #tpu.memory_space<vmem>> -> memref<128xi32, #tpu.memory_space<vmem>>
    %dma_wait3A_145 = arith.constant 0 : i32
    %dma_wait3A_146 = arith.constant 0 : i32
    %dma_wait3A_147 = tpu.memref_slice %arg2[%dma_wait3A_145, %dma_wait3A_146] : memref<1000000x128xf32, #tpu.memory_space<hbm>> -> memref<1000000x128xf32, #tpu.memory_space<hbm>>
    tpu.wait_indirect_dma semaphore(%arg10 : memref<!tpu.dma_semaphore, #tpu.memory_space<semaphore_mem>>) src(%dma_wait3A_147 : memref<1000000x128xf32, #tpu.memory_space<hbm>>) dst(%dma_wait3A_141 : memref<128x128xf32, #tpu.memory_space<vmem>>)
    %dma_start3A_148 = arith.constant 3 : i32
    %dma_start3A_149 = arith.constant 0 : i32
    %dma_start3A_150 = arith.constant 0 : i32
    %dma_start3A_151 = tpu.memref_slice %arg6[%dma_start3A_148, %dma_start3A_149, %dma_start3A_150] : memref<4x128x128xf32, #tpu.memory_space<vmem>> -> memref<1x128x128xf32, #tpu.memory_space<vmem>>
    %dma_start3A_152 = tpu.memref_squeeze %dma_start3A_151 : memref<1x128x128xf32, #tpu.memory_space<vmem>> -> memref<128x128xf32, #tpu.memory_space<vmem>>
    %dma_start3A_153 = arith.constant 0 : i32
    %dma_start3A_154 = tpu.memref_slice %arg4[%add3A_135, %dma_start3A_153] : memref<819200x128xf32, #tpu.memory_space<hbm>> -> memref<128x128xf32, #tpu.memory_space<hbm>>
    %dma_start3A_155 = arith.constant 0 : i32
    %dma_start3A_156 = tpu.memref_slice %arg4[%add3A_135, %dma_start3A_155] : memref<819200x128xf32, #tpu.memory_space<hbm>> -> memref<128x128xf32, #tpu.memory_space<hbm>>
    %dma_start3A_157 = arith.constant 0 : i32
    %dma_start3A_158 = arith.constant 0 : i32
    %dma_start3A_159 = tpu.memref_slice %arg6[%dma_start3A_148, %dma_start3A_157, %dma_start3A_158] : memref<4x128x128xf32, #tpu.memory_space<vmem>> -> memref<1x128x128xf32, #tpu.memory_space<vmem>>
    %dma_start3A_160 = tpu.memref_squeeze %dma_start3A_159 : memref<1x128x128xf32, #tpu.memory_space<vmem>> -> memref<128x128xf32, #tpu.memory_space<vmem>>
    tpu.enqueue_dma source(%dma_start3A_160 : memref<128x128xf32, #tpu.memory_space<vmem>>) target(%dma_start3A_156 : memref<128x128xf32, #tpu.memory_space<hbm>>) target_semaphore(%arg14 : memref<!tpu.dma_semaphore, #tpu.memory_space<semaphore_mem>>)
    %add3A_161 = arith.constant 25088 : i32
    %add3A_162 = arith.addi %mul3A_2, %add3A_161 : i32
    %dma_wait3A_163 = arith.constant 0 : i32
    %dma_wait3A_164 = arith.constant 0 : i32
    %dma_wait3A_165 = arith.constant 0 : i32
    %dma_wait3A_166 = tpu.memref_slice %arg6[%dma_wait3A_163, %dma_wait3A_164, %dma_wait3A_165] : memref<4x128x128xf32, #tpu.memory_space<vmem>> -> memref<1x128x128xf32, #tpu.memory_space<vmem>>
    %dma_wait3A_167 = tpu.memref_squeeze %dma_wait3A_166 : memref<1x128x128xf32, #tpu.memory_space<vmem>> -> memref<128x128xf32, #tpu.memory_space<vmem>>
    %dma_wait3A_168 = arith.constant 0 : i32
    %dma_wait3A_169 = tpu.memref_slice %arg4[%add3A_162, %dma_wait3A_168] : memref<819200x128xf32, #tpu.memory_space<hbm>> -> memref<128x128xf32, #tpu.memory_space<hbm>>
    %dma_wait3A_170 = arith.constant 0 : i32
    %dma_wait3A_171 = tpu.memref_slice %arg4[%add3A_162, %dma_wait3A_170] : memref<819200x128xf32, #tpu.memory_space<hbm>> -> memref<128x128xf32, #tpu.memory_space<hbm>>
    %dma_wait3A_172 = arith.constant 0 : i32
    %dma_wait3A_173 = arith.constant 0 : i32
    %dma_wait3A_174 = tpu.memref_slice %arg6[%dma_wait3A_163, %dma_wait3A_172, %dma_wait3A_173] : memref<4x128x128xf32, #tpu.memory_space<vmem>> -> memref<1x128x128xf32, #tpu.memory_space<vmem>>
    %dma_wait3A_175 = tpu.memref_squeeze %dma_wait3A_174 : memref<1x128x128xf32, #tpu.memory_space<vmem>> -> memref<128x128xf32, #tpu.memory_space<vmem>>
    tpu.wait_dma2 semaphore(%arg11 : memref<!tpu.dma_semaphore, #tpu.memory_space<semaphore_mem>>) src(%dma_wait3A_175 : memref<128x128xf32, #tpu.memory_space<vmem>>) dst(%dma_wait3A_171 : memref<128x128xf32, #tpu.memory_space<hbm>>)
    %add3A_176 = arith.constant 25216 : i32
    %add3A_177 = arith.addi %mul3A_2, %add3A_176 : i32
    %dma_wait3A_178 = arith.constant 1 : i32
    %dma_wait3A_179 = arith.constant 0 : i32
    %dma_wait3A_180 = arith.constant 0 : i32
    %dma_wait3A_181 = tpu.memref_slice %arg6[%dma_wait3A_178, %dma_wait3A_179, %dma_wait3A_180] : memref<4x128x128xf32, #tpu.memory_space<vmem>> -> memref<1x128x128xf32, #tpu.memory_space<vmem>>
    %dma_wait3A_182 = tpu.memref_squeeze %dma_wait3A_181 : memref<1x128x128xf32, #tpu.memory_space<vmem>> -> memref<128x128xf32, #tpu.memory_space<vmem>>
    %dma_wait3A_183 = arith.constant 0 : i32
    %dma_wait3A_184 = tpu.memref_slice %arg4[%add3A_177, %dma_wait3A_183] : memref<819200x128xf32, #tpu.memory_space<hbm>> -> memref<128x128xf32, #tpu.memory_space<hbm>>
    %dma_wait3A_185 = arith.constant 0 : i32
    %dma_wait3A_186 = tpu.memref_slice %arg4[%add3A_177, %dma_wait3A_185] : memref<819200x128xf32, #tpu.memory_space<hbm>> -> memref<128x128xf32, #tpu.memory_space<hbm>>
    %dma_wait3A_187 = arith.constant 0 : i32
    %dma_wait3A_188 = arith.constant 0 : i32
    %dma_wait3A_189 = tpu.memref_slice %arg6[%dma_wait3A_178, %dma_wait3A_187, %dma_wait3A_188] : memref<4x128x128xf32, #tpu.memory_space<vmem>> -> memref<1x128x128xf32, #tpu.memory_space<vmem>>
    %dma_wait3A_190 = tpu.memref_squeeze %dma_wait3A_189 : memref<1x128x128xf32, #tpu.memory_space<vmem>> -> memref<128x128xf32, #tpu.memory_space<vmem>>
    tpu.wait_dma2 semaphore(%arg12 : memref<!tpu.dma_semaphore, #tpu.memory_space<semaphore_mem>>) src(%dma_wait3A_190 : memref<128x128xf32, #tpu.memory_space<vmem>>) dst(%dma_wait3A_186 : memref<128x128xf32, #tpu.memory_space<hbm>>)
    %add3A_191 = arith.constant 25344 : i32
    %add3A_192 = arith.addi %mul3A_2, %add3A_191 : i32
    %dma_wait3A_193 = arith.constant 2 : i32
    %dma_wait3A_194 = arith.constant 0 : i32
    %dma_wait3A_195 = arith.constant 0 : i32
    %dma_wait3A_196 = tpu.memref_slice %arg6[%dma_wait3A_193, %dma_wait3A_194, %dma_wait3A_195] : memref<4x128x128xf32, #tpu.memory_space<vmem>> -> memref<1x128x128xf32, #tpu.memory_space<vmem>>
    %dma_wait3A_197 = tpu.memref_squeeze %dma_wait3A_196 : memref<1x128x128xf32, #tpu.memory_space<vmem>> -> memref<128x128xf32, #tpu.memory_space<vmem>>
    %dma_wait3A_198 = arith.constant 0 : i32
    %dma_wait3A_199 = tpu.memref_slice %arg4[%add3A_192, %dma_wait3A_198] : memref<819200x128xf32, #tpu.memory_space<hbm>> -> memref<128x128xf32, #tpu.memory_space<hbm>>
    %dma_wait3A_200 = arith.constant 0 : i32
    %dma_wait3A_201 = tpu.memref_slice %arg4[%add3A_192, %dma_wait3A_200] : memref<819200x128xf32, #tpu.memory_space<hbm>> -> memref<128x128xf32, #tpu.memory_space<hbm>>
    %dma_wait3A_202 = arith.constant 0 : i32
    %dma_wait3A_203 = arith.constant 0 : i32
    %dma_wait3A_204 = tpu.memref_slice %arg6[%dma_wait3A_193, %dma_wait3A_202, %dma_wait3A_203] : memref<4x128x128xf32, #tpu.memory_space<vmem>> -> memref<1x128x128xf32, #tpu.memory_space<vmem>>
    %dma_wait3A_205 = tpu.memref_squeeze %dma_wait3A_204 : memref<1x128x128xf32, #tpu.memory_space<vmem>> -> memref<128x128xf32, #tpu.memory_space<vmem>>
    tpu.wait_dma2 semaphore(%arg13 : memref<!tpu.dma_semaphore, #tpu.memory_space<semaphore_mem>>) src(%dma_wait3A_205 : memref<128x128xf32, #tpu.memory_space<vmem>>) dst(%dma_wait3A_201 : memref<128x128xf32, #tpu.memory_space<hbm>>)
    %add3A_206 = arith.constant 25472 : i32
    %add3A_207 = arith.addi %mul3A_2, %add3A_206 : i32
    %dma_wait3A_208 = arith.constant 3 : i32
    %dma_wait3A_209 = arith.constant 0 : i32
    %dma_wait3A_210 = arith.constant 0 : i32
    %dma_wait3A_211 = tpu.memref_slice %arg6[%dma_wait3A_208, %dma_wait3A_209, %dma_wait3A_210] : memref<4x128x128xf32, #tpu.memory_space<vmem>> -> memref<1x128x128xf32, #tpu.memory_space<vmem>>
    %dma_wait3A_212 = tpu.memref_squeeze %dma_wait3A_211 : memref<1x128x128xf32, #tpu.memory_space<vmem>> -> memref<128x128xf32, #tpu.memory_space<vmem>>
    %dma_wait3A_213 = arith.constant 0 : i32
    %dma_wait3A_214 = tpu.memref_slice %arg4[%add3A_207, %dma_wait3A_213] : memref<819200x128xf32, #tpu.memory_space<hbm>> -> memref<128x128xf32, #tpu.memory_space<hbm>>
    %dma_wait3A_215 = arith.constant 0 : i32
    %dma_wait3A_216 = tpu.memref_slice %arg4[%add3A_207, %dma_wait3A_215] : memref<819200x128xf32, #tpu.memory_space<hbm>> -> memref<128x128xf32, #tpu.memory_space<hbm>>
    %dma_wait3A_217 = arith.constant 0 : i32
    %dma_wait3A_218 = arith.constant 0 : i32
    %dma_wait3A_219 = tpu.memref_slice %arg6[%dma_wait3A_208, %dma_wait3A_217, %dma_wait3A_218] : memref<4x128x128xf32, #tpu.memory_space<vmem>> -> memref<1x128x128xf32, #tpu.memory_space<vmem>>
    %dma_wait3A_220 = tpu.memref_squeeze %dma_wait3A_219 : memref<1x128x128xf32, #tpu.memory_space<vmem>> -> memref<128x128xf32, #tpu.memory_space<vmem>>
    tpu.wait_dma2 semaphore(%arg14 : memref<!tpu.dma_semaphore, #tpu.memory_space<semaphore_mem>>) src(%dma_wait3A_220 : memref<128x128xf32, #tpu.memory_space<vmem>>) dst(%dma_wait3A_216 : memref<128x128xf32, #tpu.memory_space<hbm>>)
    return
  }
}

module attributes {stable_mosaic.version = 14 : i64} {
  func.func @_tp_body(%arg0: i32, %arg1: memref<64x2048xf32, #tpu.memory_space<vmem>>, %arg2: memref<2048x128xf32, #tpu.memory_space<vmem>>) attributes {dimension_semantics = [#tpu.dimension_semantics<arbitrary>], iteration_bounds = array<i64: 489>, scalar_prefetch = 0 : i64, scratch_operands = 0 : i64, tpu.core_type = #tpu.core_type<tc>, window_params = [{transform_indices = @transform_0, window_bounds = array<i64: 64, 2048>}, {transform_indices = @transform_1, window_bounds = array<i64: 2048, 128>}]} {
    %get3A = arith.constant 0 : index
    %get3A_0 = arith.constant 0 : index
    %get3A_1 = vector.load %arg1[%get3A, %get3A_0] : memref<64x2048xf32, #tpu.memory_space<vmem>>, vector<64x2048xf32>
    %transpose3A = tpu.transpose %get3A_1, [1, 0] : vector<64x2048xf32> -> vector<2048x64xf32>
    %swap3A = arith.constant 0 : index
    %swap3A_2 = arith.constant 0 : index
    %swap3A_3 = vector.load %arg2[%swap3A, %swap3A_2] : memref<2048x128xf32, #tpu.memory_space<vmem>>, vector<2048x64xf32>
    tpu.vector_store %arg2[%swap3A, %swap3A_2], %transpose3A {strides = array<i32>} : memref<2048x128xf32, #tpu.memory_space<vmem>>, vector<2048x64xf32>,
    return
  }
  func.func @transform_0(%arg0: i32) -> (i32, i32) {
    %c0_i32 = arith.constant 0 : i32
    %c0_i32_0 = arith.constant 0 : i32
    return %c0_i32, %arg0 : i32, i32
  }
  func.func @transform_1(%arg0: i32) -> (i32, i32) {
    %c0_i32 = arith.constant 0 : i32
    %c0_i32_0 = arith.constant 0 : i32
    return %arg0, %c0_i32 : i32, i32
  }
}

</mosaic_0001>

<sc_bundles>
// kernel: kernel.4.cloned.1.call-start
scs
__scs_entry_jumppad:
0x0: {  	(pc) =	sbr.rel $0x88, $3  }
0x1: {  	(tag) =	ssettag $0x0;
	lr =	simm.s32 $0x1  }
0x2: {  	[smem:$0x3F9F] =	sst lr;
	_ =	strace $0xD0000000  }
0x3: {  	_ = 	snop  }
0x4: {  	_ = 	snop  }
0x5: {  	_ = 	snop  }
0x6: {  	_ = 	snop  }
0x7: {  	_ = 	snop  }
__scs_overlays_trampoline_lowered:
0x8: {  	[smem:$0x3FAE] =	sst s0  }
0x9: {  	[smem:$0x3FAF] =	sst s1  }
0xa: {  	[smem:$0x3FB0] =	sst s2  }
0xb: {  	[smem:$0x3FB1] =	sst s3  }
0xc: {  	[smem:$0x3FB2] =	sst s4  }
0xd: {  	[smem:$0x3FB3] =	sst s5  }
0xe: {  	[smem:$0x3FB4] =	sst s6  }
0xf: {  	[smem:$0x3FB5] =	sst s7  }
0x10: {  	[smem:$0x3FB6] =	sst s8  }
0x11: {  	[smem:$0x3FB7] =	sst s9;
	s0 =	simm.s32 @!p0 $0x0  }
0x12: {  	s1 =	sld [smem:$0x3F9D];
	s0 =	simm.s32 @p0 $0x1  }
0x13: {  	[smem:$0x3FB8] =	sst s0;
	s0 =	simm.s32 @!p1 $0x0  }
0x14: {  	s2 =	sld [smem:$0x3F9C];
	s0 =	simm.s32 @p1 $0x1  }
0x15: {  	[smem:$0x3FB9] =	sst s0;
	s0 =	simm.s32 @!p2 $0x0  }
0x16: {  	s3 =	sld [smem:$0x3FDB];
	s0 =	simm.s32 @p2 $0x1  }
0x17: {  	s4 =	simm.s32 $0x1BF5;
	[smem:$0x3FBB] =	sst s0  }
0x18: {  	s0 =	sld [smem:$0x3F9E];
	_ =	swait.ge [sflag:s4], $0x0  }
0x19: {  	s7 =	sld [smem:$0x3F9F]  }
0x1a: {  	s8 =	sadd.s32 $0xFFFFE003, lr  }
0x1b: {  	s9 =	sadd.s32 $0xFFFFFEF7, lr;
	s5 =	simm.s32 $0xFFFFFFFF;
	p2 =	slt.u32 s8, $0xFFFFF086  }
0x1c: {  	p1 =	slt.u32 s9, $0xF7A;
	s5 =	simm.s32 @!p2 $0x0  }
0x1d: {  	s5 =	simm.s32 @p1 $0x1;
	p0 =	seq.s32 s7, s2  }
0x1e: {  	s7 =	smul.u32 @!p0 $0xF7A, s2;
	p2 =	seq.s32 @!p0 s5, $0x0  }
0x1f: {  	s9 =	smul.u32 $0xF7A, s1;
	s8 =	simm.s32 @!p0 $0x1BF5;
	p2 =	por !p2, p0  }
0x20: {  	[sflag:s8] =	ssyncset.s32 @!p0 $0xFFFFF086;
	s6 =	sadd.s32 @!p0 s3, s7;
	s7 =	simm.s32 @!p0 $0x108  }
0x21: {  	s3 =	sadd.s32 s3, s9;
	s6 =	sadd.s32 @!p0 $0x88, s6;
	s7 =	simm.s32 @p2 $0x1082  }
0x22: {  	[simem:s7], [sflag:s8] =	dma.local @!p0 [hbm:s6], $0xF7A  }
0x23: {  	s9 =	sor.u32 $0xD0000000, s2;
	s6 =	simm.s32 $0x108;
	_ =	swait.ge @!p0 [sflag:s8], $0x0  }
0x24: {  	s3 =	sadd.s32 $0x88, s3;
	s6 =	simm.s32 @!p1 $0x1082;
	[sflag:s4] =	ssyncset.s32 $0xFFFFF086  }
0x25: {  	[simem:s6], [sflag:s4] =	dma.local [hbm:s3], $0xF7A  }
0x26: {  	[smem:$0x3F9F] =	sst s1;
	(tag) =	ssettag s2;
	_ =	strace s9  }
0x27: {  	s1 =	sld [smem:$0x3FAF]  }
0x28: {  	s2 =	sld [smem:$0x3FB0]  }
0x29: {  	s4 =	sld [smem:$0x3FB2]  }
0x2a: {  	p0 =	seq.s32 s5, $0x0;
	s5 =	sld [smem:$0x3FB3]  }
0x2b: {  	s6 =	sld [smem:$0x3FB4]  }
0x2c: {  	s7 =	sld [smem:$0x3FB5]  }
0x2d: {  	s3 =	simm.s32 $0x108;
	s8 =	sld [smem:$0x3FB6]  }
0x2e: {  	s3 =	simm.s32 @!p0 $0x1082;
	s9 =	sld [smem:$0x3FB7]  }
0x2f: {  	lr =	sadd.s32 s0, s3;
	s0 =	sld [smem:$0x3FAE]  }
0x30: {  	s3 =	sld [smem:$0x3FB1]  }
0x31: {  	[smem:$0x3FBA] =	sst s10  }
0x32: {  	s10 =	sld [smem:$0x3FB8];
	_ =	sdelay $0x3  }
0x33: {  	p0 =	seq.s32 s10, $0x1;
	s10 =	sld [smem:$0x3FBA];
	_ =	sdelay $0x3  }
0x34: {  	[smem:$0x3FBA] =	sst s10  }
0x35: {  	s10 =	sld [smem:$0x3FB9];
	_ =	sdelay $0x3  }
0x36: {  	p1 =	seq.s32 s10, $0x1;
	s10 =	sld [smem:$0x3FBA];
	_ =	sdelay $0x3  }
0x37: {  	[smem:$0x3FBA] =	sst s10  }
0x38: {  	s10 =	sld [smem:$0x3FBB]  }
0x39: {  	_ = 	snop;
	(pc) =	sbr.ind lr, $3  }
0x3a: {  	_ = 	snop  }
0x3b: {  	_ = 	snop  }
0x3c: {  	p2 =	seq.s32 s10, $0x1;
	s10 =	sld [smem:$0x3FBA]  }
0x3d: {  	_ =	shalt  }
0x3e: {  	_ =	shalt  }
0x3f: {  	_ =	shalt  }
0x40: {  	_ =	shalt  }
0x41: {  	_ =	shalt  }
0x42: {  	_ =	shalt  }
0x43: {  	_ =	shalt  }
0x44: {  	_ =	shalt  }
0x45: {  	_ =	shalt  }
0x46: {  	_ =	shalt  }
0x47: {  	_ =	shalt  }
0x48: {  	_ =	shalt  }
0x49: {  	_ =	shalt  }
0x4a: {  	_ =	shalt  }
0x4b: {  	_ =	shalt  }
0x4c: {  	_ =	shalt  }
0x4d: {  	_ =	shalt  }
0x4e: {  	_ =	shalt  }
0x4f: {  	_ =	shalt  }
0x50: {  	_ =	shalt  }
0x51: {  	_ =	shalt  }
0x52: {  	_ =	shalt  }
0x53: {  	_ =	shalt  }
0x54: {  	_ =	shalt  }
0x55: {  	_ =	shalt  }
0x56: {  	_ =	shalt  }
0x57: {  	_ =	shalt  }
0x58: {  	_ =	shalt  }
0x59: {  	_ =	shalt  }
0x5a: {  	_ =	shalt  }
0x5b: {  	_ =	shalt  }
0x5c: {  	_ =	shalt  }
0x5d: {  	_ =	shalt  }
0x5e: {  	_ =	shalt  }
0x5f: {  	_ =	shalt  }
0x60: {  	_ =	shalt  }
0x61: {  	_ =	shalt  }
0x62: {  	_ =	shalt  }
0x63: {  	_ =	shalt  }
0x64: {  	_ =	shalt  }
0x65: {  	_ =	shalt  }
0x66: {  	_ =	shalt  }
0x67: {  	_ =	shalt  }
0x68: {  	_ =	shalt  }
0x69: {  	_ =	shalt  }
0x6a: {  	_ =	shalt  }
0x6b: {  	_ =	shalt  }
0x6c: {  	_ =	shalt  }
0x6d: {  	_ =	shalt  }
0x6e: {  	_ =	shalt  }
0x6f: {  	_ =	shalt  }
0x70: {  	_ =	shalt  }
0x71: {  	_ =	shalt  }
0x72: {  	_ =	shalt  }
0x73: {  	_ =	shalt  }
0x74: {  	_ =	shalt  }
0x75: {  	_ =	shalt  }
0x76: {  	_ =	shalt  }
0x77: {  	_ =	shalt  }
0x78: {  	_ =	shalt  }
0x79: {  	_ =	shalt  }
0x7a: {  	_ =	shalt  }
0x7b: {  	_ =	shalt  }
0x7c: {  	_ =	shalt  }
0x7d: {  	_ =	shalt  }
0x7e: {  	_ =	shalt  }
0x7f: {  	_ =	shalt  }
0x80: {  	_ =	shalt  }
0x81: {  	_ =	shalt  }
0x82: {  	_ =	shalt  }
0x83: {  	_ =	shalt  }
0x84: {  	_ =	shalt  }
0x85: {  	_ =	shalt  }
0x86: {  	_ =	shalt  }
0x87: {  	_ =	shalt  }
.Lfunc_end0:
.L_simem_size_0:
called_computation.1_lowered:
.L_overlay_start_0:
0x88: {  	s2 =	sld [smem:$0x3FD9]  }
0x89: {  	s3 =	sld [smem:$0x3FFE];
	_ =	sdelay $0x1  }
0x8a: {  	s1 =	srdreg.scid  }
0x8b: {  	s0 =	sand.u32 $0x1, s1  }
0x8c: {  	s17 =	sshll.u32 s0, $0xA;
	s2 =	sadd.s32 s3, s2  }
0x8d: {  	s2 =	sadd.s32 s2, s17  }
0x8e: {  	[smem:$0x3FC6] =	sst s2  }
0x8f: {  	_ = 	snop  }
0x90: {  	s2 =	sld [smem:$0x3FD0];
	(tm) =	ssettm $0x1  }
0x91: {  	s18 =	sld [smem:$0x3FFB];
	_ =	sdelay $0x3  }
0x92: {  	_ =	strace s18  }
0x93: {  	s3 =	sld [smem:$0x3FFC];
	_ =	sdelay $0x3  }
0x94: {  	_ =	strace s3  }
0x95: {  	s3 =	sld [smem:$0x3FFD];
	_ =	sdelay $0x3  }
0x96: {  	_ =	strace s3  }
0x97: {  	_ =	strace $0x8FFFFFFF  }
0x98: {  	s19 =	sld [smem:$0x3FDB];
	_ =	sdelay $0x1  }
0x99: {  	s4 =	simm.s32 $_scs_section_size  }
0x9a: {  	s5 =	simm.s32 $_size__tile_overlayer_lowered;
	s6 =	simm.s32 $_tile_overlayer_lowered  }
0x9b: {  	s22 =	simm.s32 $0x1BFF;
	s21 =	sshll.u32 s6, $0x1;
	s3 =	sadd.s32 s4, s19  }
0x9c: {  	s7 =	simm.s32 $0x0;
	s20 =	sshll.u32 s5, $0x1;
	s5 =	sadd.s32 s21, s3  }
0x9d: {  	[timem:s7], [sflag:s22] =	dma.local [hbm:s5], s20  }
0x9e: {  	_ =	swait.ge [sflag:s22], s20  }
0x9f: {  	s4 =	ssub.s32 $0x0, s20;
	[sflag:s22] =	ssyncset.done $0x0  }
0xa0: {  	[sflag:s22] =	ssyncadd.s32 s4;
	_ =	sdelay $0x1  }
0xa1: {  	s23 =	simm.s32 $0x1B8B  }
0xa2: {  	_ =	swait.ge [sflag:s23], $0x1  }
0xa3: {  	[sflag:s23] =	ssyncset.done $0x0  }
0xa4: {  	s25 =	simm.s32 $0x1B8E;
	s24 =	sld [smem:$0x3FFE];
	[sflag:s23] =	ssyncadd.s32 $0xFFFFFFFF  }
0xa5: {  	s26 =	simm.s32 $execute0_lowered;
	[smem:$0x3FD2] =	sst s25  }
0xa6: {  	s5 =	sshll.u32 s26, $0x1;
	_ =	strace $0x80000046;
	[dreg:$0x1] =	wrdreg $0xFFFFFFFF  }
0xa7: {  	s28 =	simm.s32 $_size_execute0_lowered;
	s3 =	sadd.s32 s3, s5;
	[dreg:$0x0] =	wrdreg $0x0  }
0xa8: {  	s5 =	sshll.u32 s28, $0x1;
	[dreg:$0x2] =	wrdreg s3  }
0xa9: {  	[dreg:$0x3] =	wrdreg s5  }
0xaa: {  	[dreg:$0x4] =	wrdreg $0xC0  }
0xab: {  	_ =	task [dreg:s7], $0x5FFFF  }
0xac: {  	[dreg:$0x1] =	wrdreg $0xFFFFFFFF  }
0xad: {  	[dreg:$0x0] =	wrdreg $0x60  }
0xae: {  	[dreg:$0x2] =	wrdreg s24  }
0xaf: {  	[dreg:$0x3] =	wrdreg s2  }
0xb0: {  	[dreg:$0x4] =	wrdreg $0x9  }
0xb1: {  	_ =	task.clear_ibuf [dreg:s7], $0x5FFFF;
	_ =	strace $0x90000046  }
0xb2: {  	s29 =	simm.s32 $0x9;
	_ =	strace $0x80000048  }
0xb3: {  	_ =	swait.ge [sflag:s29], $0x1  }
0xb4: {  	[sflag:s29] =	ssyncadd.s32 $0xFFFFFFFF  }
0xb5: {  	_ =	strace $0x90000048  }
0xb6: {  	_ =	sfence  }
0xb7: {  	s30 =	sld [smem:$0x0];
	_ =	sdelay $0x2  }
0xb8: {  	s31 =	sshll.u32 s1, $0xD;
	s1 =	sshrl.u32 s1, $0x2  }
0xb9: {  	s3 =	sand.u32 $0x4000, s31;
	s1 =	sadd.s32 s1, s30  }
0xba: {  	s0 =	sor.u32 s3, s0;
	s1 =	sshll.u32 s1, $0x11  }
0xbb: {  	s0 =	sor.u32 s1, s0  }
0xbc: {  	s0 =	sadd.s32 $0x8F2B, s0  }
0xbd: {  	[sflag:s0] =	ssyncadd.remote.s32 $0x1  }
0xbe: {  	_ =	sfence.sel $0xFFFF  }
0xbf: {  	[dreg:$0x0] =	wrdreg $0xFFFFFFFF;
	(pc) =	sbr.abs _section_cstart, $3  }
0xc0: {  	[dreg:$0x1] =	wrdreg $0xFFFFFFFF  }
0xc1: {  	_ =	task.clear_ibuf [dreg:s7], $0x2FFFF;
	_ =	strace $0x9FFFFFFF  }
0xc2: {  	(tm) =	ssettm $0x7FFFFFFF  }
0xc3: {  	_ =	shalt  }
tec
execute0_lowered:
.L_overlay_start_1:
0x0: {  	(tag) =	ssettag $0x1  }
0x1: {  	s0 =	rddreg [dreg:$0x0]  }
0x2: {  	s4 =	rddreg [dreg:$0x1];
	s2 =	simm.s32 $0x0  }
0x3: {  	s3 =	srdreg.scid;
	s1 =	stileid.u32;
	s14 =	simm.s32 $0x6400  }
0x4: {  	s15 =	simm.s32 $0xA400;
	s17 =	simm.s32 $0xE400;
	s18 =	simm.s32 $0x180  }
0x5: {  	s19 =	simm.s32 $0x12400;
	s20 =	simm.s32 $0x1;
	s21 =	simm.s32 $0x5  }
0x6: {  	s22 =	simm.s32 $0x2;
	s23 =	simm.s32 $0x6;
	s28 =	simm.s32 $0x8  }
0x7: {  	s29 =	simm.s32 $0x0;
	[smem:$0x7FF] =	sst s2;
	s26 =	smul.u32 $0x640000, s1  }
0x8: {  	s9 =	sand.u32 $0x1, s3;
	s24 =	sshll.u32 s1, $0x1;
	s13 =	smul.u32 $0xC8000, s1  }
0x9: {  	s3 =	sadd.s32 $0x800, s0;
	s0 =	sadd.s32 $0xF42C00, s0;
	s12 =	smul.u32 $0x320000, s9  }
0xa: {  	s5 =	sor.u32 s9, s24;
	s6 =	ssub.s32 $0x2, s9;
	s31 =	smul.u32 $0x64000, s9  }
0xb: {  	_ =	strace $0x80000047;
	s7 =	smul.u32 $0x320000, s5;
	s8 =	sshrl.u32 s6, $0x1  }
0xc: {  	s24 =	simm.s32 $0x3;
	s5 =	smul.u32 $0x6400, s5;
	s10 =	ssub.s32 s6, s8  }
0xd: {  	s12 =	sadd.s32 s12, s26;
	s26 =	simm.s32 $0x4;
	s25 =	sshrl.u32 s7, $0x3  }
0xe: {  	s5 =	sshrl.u32 s5, $0x3;
	s30 =	sshrl.u32 s12, $0x3;
	s9 =	smax.u32 s10, $0x1  }
0xf: {  	s12 =	simm.s32 $0x9;
	s11 =	sadd.s32 s0, s25;
	s4 =	sadd.s32 s4, s5  }
0x10: {  	s10 =	sadd.s32 s30, s0;
	s0 =	sadd.s32 s13, s0;
	s13 =	simm.s32 $0x80  }
0x11: {  	s25 =	simm.s32 $0x7;
	s5 =	sadd.s32 $0x62000, s11;
	s6 =	sadd.s32 $0x62800, s11  }
0x12: {  	s7 =	sadd.s32 $0x63000, s11;
	s8 =	sadd.s32 $0x63800, s11;
	s11 =	sadd.s32 s31, s0  }
.LBB2_1:
0x13: {  	[tilespmem:s2], [sflag:$0x9] =	stream.linear.gather [hbm4b:s4+s2], $0x6400, $0x38;
	[tilespmem:$0x16400] =	vst v63  }
0x14: {  	_ =	swait.ge [sflag:s12], $0x6400  }
0x15: {  	[sflag:s12] =	ssyncset.done $0x0  }
0x16: {  	[sflag:s12] =	ssyncadd.s32 $0xFFFF9C00  }
0x17: {  	[tilespmem:s14], [sflag:$0x1] =	stream.indirect.gather [hbm4b:s3+s13], $0x80, s2, s13, $0xb8;
	[tilespmem:$0x16400] =	vst v63  }
0x18: {  	_ = 	snop  }
0x19: {  	[tilespmem:s15], [sflag:$0x2] =	stream.indirect.gather [hbm4b:s3+s13], $0x80, s13, s13, $0xb8;
	[tilespmem:$0x16400] =	vst v63  }
0x1a: {  	s0 =	simm.s32 $0x100  }
0x1b: {  	[tilespmem:s17], [sflag:$0x3] =	stream.indirect.gather [hbm4b:s3+s13], $0x80, s0, s13, $0xb8;
	[tilespmem:$0x16400] =	vst v63  }
0x1c: {  	_ = 	snop  }
0x1d: {  	[tilespmem:s19], [sflag:$0x4] =	stream.indirect.gather [hbm4b:s3+s13], $0x80, s18, s13, $0xb8;
	[tilespmem:$0x16400] =	vst v63  }
0x1e: {  	_ =	swait.ge [sflag:s20], $0x4000  }
0x1f: {  	[sflag:s20] =	ssyncset.done $0x0  }
0x20: {  	s16 =	sadd.s32 $0x0, s10;
	[sflag:s20] =	ssyncadd.s32 $0xFFFFC000  }
0x21: {  	[hbm4b:s16+s2] =	stream.linear.scatter [tilespmem:s14], [sflag:$0x5], $0x4000, $0x38;
	[tilespmem:$0x16400] =	vst v63  }
0x22: {  	_ =	swait.ge [sflag:s21], $0x4000  }
0x23: {  	[sflag:s21] =	ssyncset.done $0x0  }
0x24: {  	s1 =	simm.s32 $0x200;
	[sflag:s21] =	ssyncadd.s32 $0xFFFFC000  }
0x25: {  	[tilespmem:s14], [sflag:$0x1] =	stream.indirect.gather [hbm4b:s3+s13], $0x80, s1, s13, $0xb8;
	[tilespmem:$0x16400] =	vst v63  }
0x26: {  	_ =	swait.ge [sflag:s22], $0x4000  }
0x27: {  	s16 =	sadd.s32 $0x0, s11;
	[sflag:s22] =	ssyncset.done $0x0  }
0x28: {  	s30 =	sadd.s32 $0x800, s16;
	[sflag:s22] =	ssyncadd.s32 $0xFFFFC000  }
0x29: {  	[hbm4b:s30+s2] =	stream.linear.scatter [tilespmem:s15], [sflag:$0x6], $0x4000, $0x38;
	[tilespmem:$0x16400] =	vst v63  }
0x2a: {  	_ =	swait.ge [sflag:s23], $0x4000  }
0x2b: {  	[sflag:s23] =	ssyncset.done $0x0  }
0x2c: {  	s30 =	simm.s32 $0x280;
	[sflag:s23] =	ssyncadd.s32 $0xFFFFC000  }
0x2d: {  	[tilespmem:s15], [sflag:$0x2] =	stream.indirect.gather [hbm4b:s3+s13], $0x80, s30, s13, $0xb8;
	[tilespmem:$0x16400] =	vst v63  }
0x2e: {  	_ =	swait.ge [sflag:s24], $0x4000  }
0x2f: {  	[sflag:s24] =	ssyncset.done $0x0  }
0x30: {  	s30 =	sadd.s32 $0x1000, s16;
	[sflag:s24] =	ssyncadd.s32 $0xFFFFC000  }
0x31: {  	[hbm4b:s30+s2] =	stream.linear.scatter [tilespmem:s17], [sflag:$0x7], $0x4000, $0x38;
	[tilespmem:$0x16400] =	vst v63  }
0x32: {  	_ =	swait.ge [sflag:s25], $0x4000  }
0x33: {  	[sflag:s25] =	ssyncset.done $0x0  }
0x34: {  	s30 =	simm.s32 $0x300;
	[sflag:s25] =	ssyncadd.s32 $0xFFFFC000  }
0x35: {  	[tilespmem:s17], [sflag:$0x3] =	stream.indirect.gather [hbm4b:s3+s13], $0x80, s30, s13, $0xb8;
	[tilespmem:$0x16400] =	vst v63  }
0x36: {  	_ =	swait.ge [sflag:s26], $0x4000  }
0x37: {  	[sflag:s26] =	ssyncset.done $0x0  }
0x38: {  	s0 =	sadd.s32 $0x1800, s16;
	[sflag:s26] =	ssyncadd.s32 $0xFFFFC000  }
0x39: {  	[hbm4b:s0+s2] =	stream.linear.scatter [tilespmem:s19], [sflag:$0x8], $0x4000, $0x38;
	[tilespmem:$0x16400] =	vst v63  }
0x3a: {  	_ =	swait.ge [sflag:s28], $0x4000  }
0x3b: {  	s31 =	simm.s32 $0x2000;
	[sflag:s28] =	ssyncset.done $0x0  }
0x3c: {  	s30 =	simm.s32 $0x380;
	s0 =	simm.s32 $0x580;
	[sflag:s28] =	ssyncadd.s32 $0xFFFFC000  }
.LBB2_2:
0x3d: {  	[tilespmem:s19], [sflag:$0x4] =	stream.indirect.gather [hbm4b:s3+s13], $0x80, s30, s13, $0xb8;
	[tilespmem:$0x16400] =	vst v63  }
0x3e: {  	s1 =	smov.u32 s31;
	s30 =	smov.u32 s0  }
0x3f: {  	p0 =	sne.s32 s31, $0x60000;
	s31 =	sadd.s32 $0x2000, s31;
	_ =	swait.ge [sflag:s20], $0x4000  }
0x40: {  	[sflag:s20] =	ssyncset.done $0x0  }
0x41: {  	s16 =	sadd.s32 s1, s10;
	[sflag:s20] =	ssyncadd.s32 $0xFFFFC000  }
0x42: {  	[hbm4b:s16+s2] =	stream.linear.scatter [tilespmem:s14], [sflag:$0x5], $0x4000, $0x38;
	[tilespmem:$0x16400] =	vst v63  }
0x43: {  	_ =	swait.ge [sflag:s21], $0x4000  }
0x44: {  	[sflag:s21] =	ssyncset.done $0x0  }
0x45: {  	s16 =	sadd.s32 $0xFFFFFE80, s0;
	[sflag:s21] =	ssyncadd.s32 $0xFFFFC000  }
0x46: {  	[tilespmem:s14], [sflag:$0x1] =	stream.indirect.gather [hbm4b:s3+s13], $0x80, s16, s13, $0xb8;
	[tilespmem:$0x16400] =	vst v63  }
0x47: {  	_ =	swait.ge [sflag:s22], $0x4000  }
0x48: {  	s1 =	sadd.s32 s1, s11;
	[sflag:s22] =	ssyncset.done $0x0  }
0x49: {  	s16 =	sadd.s32 $0x800, s1;
	[sflag:s22] =	ssyncadd.s32 $0xFFFFC000  }
0x4a: {  	[hbm4b:s16+s2] =	stream.linear.scatter [tilespmem:s15], [sflag:$0x6], $0x4000, $0x38;
	[tilespmem:$0x16400] =	vst v63  }
0x4b: {  	_ =	swait.ge [sflag:s23], $0x4000  }
0x4c: {  	[sflag:s23] =	ssyncset.done $0x0  }
0x4d: {  	s16 =	sadd.s32 $0xFFFFFF00, s0;
	[sflag:s23] =	ssyncadd.s32 $0xFFFFC000  }
0x4e: {  	[tilespmem:s15], [sflag:$0x2] =	stream.indirect.gather [hbm4b:s3+s13], $0x80, s16, s13, $0xb8;
	[tilespmem:$0x16400] =	vst v63  }
0x4f: {  	_ =	swait.ge [sflag:s24], $0x4000  }
0x50: {  	[sflag:s24] =	ssyncset.done $0x0  }
0x51: {  	s16 =	sadd.s32 $0x1000, s1;
	[sflag:s24] =	ssyncadd.s32 $0xFFFFC000  }
0x52: {  	[hbm4b:s16+s2] =	stream.linear.scatter [tilespmem:s17], [sflag:$0x7], $0x4000, $0x38;
	[tilespmem:$0x16400] =	vst v63  }
0x53: {  	_ =	swait.ge [sflag:s25], $0x4000  }
0x54: {  	[sflag:s25] =	ssyncset.done $0x0  }
0x55: {  	s16 =	sadd.s32 $0xFFFFFF80, s0;
	[sflag:s25] =	ssyncadd.s32 $0xFFFFC000  }
0x56: {  	[tilespmem:s17], [sflag:$0x3] =	stream.indirect.gather [hbm4b:s3+s13], $0x80, s16, s13, $0xb8;
	[tilespmem:$0x16400] =	vst v63  }
0x57: {  	_ =	swait.ge [sflag:s26], $0x4000  }
0x58: {  	[sflag:s26] =	ssyncset.done $0x0  }
.Ltmp0:
0x59: {  	s1 =	sadd.s32 $0x1800, s1;
	[sflag:s26] =	ssyncadd.s32 $0xFFFFC000;
	(pc) =	sbr.rel @p0 .LBB2_2-.Ltmp0, $4  }
0x5a: {  	[hbm4b:s1+s2] =	stream.linear.scatter [tilespmem:s19], [sflag:$0x8], $0x4000, $0x38;
	[tilespmem:$0x16400] =	vst v63  }
0x5b: {  	_ =	swait.ge [sflag:s28], $0x4000  }
0x5c: {  	[sflag:s28] =	ssyncset.done $0x0  }
0x5d: {  	s0 =	sadd.s32 $0x200, s0;
	[sflag:s28] =	ssyncadd.s32 $0xFFFFC000  }
0x5e: {  	[tilespmem:s19], [sflag:$0x4] =	stream.indirect.gather [hbm4b:s3+s13], $0x80, s30, s13, $0xb8;
	[tilespmem:$0x16400] =	vst v63  }
0x5f: {  	_ =	swait.ge [sflag:s20], $0x4000  }
0x60: {  	[sflag:s20] =	ssyncset.done $0x0  }
0x61: {  	[sflag:s20] =	ssyncadd.s32 $0xFFFFC000  }
0x62: {  	[hbm4b:s5+s2] =	stream.linear.scatter [tilespmem:s14], [sflag:$0x5], $0x4000, $0x38;
	[tilespmem:$0x16400] =	vst v63  }
0x63: {  	_ =	swait.ge [sflag:s22], $0x4000  }
0x64: {  	[sflag:s22] =	ssyncset.done $0x0  }
0x65: {  	[sflag:s22] =	ssyncadd.s32 $0xFFFFC000  }
0x66: {  	[hbm4b:s6+s2] =	stream.linear.scatter [tilespmem:s15], [sflag:$0x6], $0x4000, $0x38;
	[tilespmem:$0x16400] =	vst v63  }
0x67: {  	_ =	swait.ge [sflag:s24], $0x4000  }
0x68: {  	[sflag:s24] =	ssyncset.done $0x0  }
0x69: {  	[sflag:s24] =	ssyncadd.s32 $0xFFFFC000  }
0x6a: {  	[hbm4b:s7+s2] =	stream.linear.scatter [tilespmem:s17], [sflag:$0x7], $0x4000, $0x38;
	[tilespmem:$0x16400] =	vst v63  }
0x6b: {  	_ =	swait.ge [sflag:s26], $0x4000  }
0x6c: {  	[sflag:s26] =	ssyncset.done $0x0  }
0x6d: {  	[sflag:s26] =	ssyncadd.s32 $0xFFFFC000  }
0x6e: {  	[hbm4b:s8+s2] =	stream.linear.scatter [tilespmem:s19], [sflag:$0x8], $0x4000, $0x38;
	[tilespmem:$0x16400] =	vst v63  }
0x6f: {  	_ =	swait.ge [sflag:s21], $0x4000  }
0x70: {  	[sflag:s21] =	ssyncset.done $0x0  }
0x71: {  	[sflag:s21] =	ssyncadd.s32 $0xFFFFC000  }
0x72: {  	_ =	swait.ge [sflag:s23], $0x4000  }
0x73: {  	[sflag:s23] =	ssyncset.done $0x0  }
0x74: {  	s29 =	sadd.s32 $0x1, s29;
	[sflag:s23] =	ssyncadd.s32 $0xFFFFC000  }
0x75: {  	p0 =	sne.s32 s29, s9;
	_ =	swait.ge [sflag:s25], $0x4000  }
.Ltmp1:
0x76: {  	[sflag:s25] =	ssyncset.done $0x0;
	(pc) =	sbr.rel @p0 .LBB2_1-.Ltmp1, $4  }
0x77: {  	[sflag:s25] =	ssyncadd.s32 $0xFFFFC000  }
0x78: {  	_ =	swait.ge [sflag:s28], $0x4000  }
0x79: {  	[sflag:s28] =	ssyncset.done $0x0  }
0x7a: {  	[sflag:s28] =	ssyncadd.s32 $0xFFFFC000  }
0x7b: {  	_ =	sfence.sel $0x180000  }
0x7c: {  	[bflag:$0x0] =	sbarrier.arrive $0xFFFF  }
0x7d: {  	_ =	strace $0x90000047  }
0x7e: {  	s0 =	stileid.u32;
	[bflag:$0x2] =	sbarrier.arrive $0xFFFF  }
0x7f: {  	p0 =	sne.s32 s0, $0x0;
	s0 =	rddreg [dreg:$0x2]  }
0x80: {  	s0 =	sadd.s32 @!p0 $0x100000, s0  }
0x81: {  	[sflag:s0] =	ssyncadd.tile.s32 @!p0 $0x1;
	_ =	shalt  }
.Lfunc_end2:
_tile_overlayer_lowered:
.L_overlay_start_2:
0x82: {  	(tag) =	ssettag $0x2  }
0x83: {  	s0 =	rddreg [dreg:$0x0];
	s2 =	stileid.u32  }
0x84: {  	s1 =	rddreg [dreg:$0x1];
	p0 =	sne.s32 s2, $0x0  }
0x85: {  	s3 =	rddreg [dreg:$0x2];
	[bflag:$0x3] =	sbarrier.arrive $0xFFFF;
	s2 =	simm.s32 @!p0 $0x1C09  }
0x86: {  	[timem:s3], [sflag:s2] =	dma.local @!p0 [hbm:s0], s1  }
0x87: {  	s0 =	simm.s32 @!p0 $0x9  }
0x88: {  	_ =	swait.ge @!p0 [sflag:s0], s1  }
0x89: {  	s1 =	ssub.s32 @!p0 $0x0, s1;
	[sflag:s0] =	ssyncset.done @!p0 $0x0  }
0x8a: {  	[sflag:s0] =	ssyncadd.s32 @!p0 s1  }
0x8b: {  	[bflag:$0x3] =	sbarrier.arrive $0xFFFF  }
0x8c: {  	_ =	shalt  }

// kernel: sparse-core-data-format-call.cloned.1.call-start
scs
called_computation_lowered:
.L_overlay_start_0:
0x0: {  	s2 =	sld [smem:$0x3FD9]  }
0x1: {  	s3 =	sld [smem:$0x3FFE];
	_ =	sdelay $0x1  }
0x2: {  	s1 =	srdreg.scid  }
0x3: {  	s0 =	sand.u32 $0x1, s1  }
0x4: {  	s18 =	sshll.u32 s0, $0xA;
	s2 =	sadd.s32 s3, s2  }
0x5: {  	s2 =	sadd.s32 s2, s18  }
0x6: {  	[smem:$0x3FC6] =	sst s2  }
0x7: {  	_ = 	snop  }
0x8: {  	s2 =	sld [smem:$0x3FD0];
	(tm) =	ssettm $0x1  }
0x9: {  	s19 =	sld [smem:$0x3FFB];
	_ =	sdelay $0x3  }
0xa: {  	_ =	strace s19  }
0xb: {  	s3 =	sld [smem:$0x3FFC];
	_ =	sdelay $0x3  }
0xc: {  	_ =	strace s3  }
0xd: {  	s3 =	sld [smem:$0x3FFD];
	_ =	sdelay $0x3  }
0xe: {  	_ =	strace s3  }
0xf: {  	_ =	strace $0x8FFFFFFF  }
0x10: {  	s20 =	sld [smem:$0x3FDB];
	_ =	sdelay $0x1  }
0x11: {  	s4 =	simm.s32 $_scs_section_size  }
0x12: {  	s5 =	simm.s32 $_size__tile_overlayer_lowered;
	s6 =	simm.s32 $_tile_overlayer_lowered  }
0x13: {  	s23 =	simm.s32 $0x1BFF;
	s22 =	sshll.u32 s6, $0x1;
	s3 =	sadd.s32 s4, s20  }
0x14: {  	s7 =	simm.s32 $0x0;
	s21 =	sshll.u32 s5, $0x1;
	s5 =	sadd.s32 s22, s3  }
0x15: {  	[timem:s7], [sflag:s23] =	dma.local [hbm:s5], s21  }
0x16: {  	_ =	swait.ge [sflag:s23], s21  }
0x17: {  	s4 =	ssub.s32 $0x0, s21;
	[sflag:s23] =	ssyncset.done $0x0  }
0x18: {  	[sflag:s23] =	ssyncadd.s32 s4;
	_ =	sdelay $0x1  }
0x19: {  	s24 =	simm.s32 $0x1B8B  }
0x1a: {  	_ =	swait.ge [sflag:s24], $0x1  }
0x1b: {  	[sflag:s24] =	ssyncset.done $0x0  }
0x1c: {  	s26 =	simm.s32 $0x1B8E;
	s25 =	sld [smem:$0x3FFE];
	[sflag:s24] =	ssyncadd.s32 $0xFFFFFFFF  }
0x1d: {  	s27 =	simm.s32 $execute0_lowered;
	[smem:$0x3FD2] =	sst s26  }
0x1e: {  	s5 =	sshll.u32 s27, $0x1;
	_ =	strace $0x80000049;
	[dreg:$0x1] =	wrdreg $0xFFFFFFFF  }
0x1f: {  	s28 =	simm.s32 $_size_execute0_lowered;
	s3 =	sadd.s32 s3, s5;
	[dreg:$0x0] =	wrdreg $0x0  }
0x20: {  	s5 =	sshll.u32 s28, $0x1;
	[dreg:$0x2] =	wrdreg s3  }
0x21: {  	[dreg:$0x3] =	wrdreg s5  }
0x22: {  	[dreg:$0x4] =	wrdreg $0xC0  }
0x23: {  	_ =	task [dreg:s7], $0x5FFFF  }
0x24: {  	[dreg:$0x1] =	wrdreg $0xFFFFFFFF  }
0x25: {  	[dreg:$0x0] =	wrdreg $0x60  }
0x26: {  	[dreg:$0x2] =	wrdreg s25  }
0x27: {  	[dreg:$0x3] =	wrdreg s2  }
0x28: {  	[dreg:$0x4] =	wrdreg $0x9  }
0x29: {  	_ =	task.clear_ibuf [dreg:s7], $0x5FFFF;
	_ =	strace $0x90000049  }
0x2a: {  	s29 =	simm.s32 $0x9;
	_ =	strace $0x8000004B  }
0x2b: {  	_ =	swait.ge [sflag:s29], $0x1  }
0x2c: {  	[sflag:s29] =	ssyncadd.s32 $0xFFFFFFFF  }
0x2d: {  	_ =	strace $0x9000004B  }
0x2e: {  	_ =	sfence  }
0x2f: {  	s30 =	sld [smem:$0x0];
	_ =	sdelay $0x2  }
0x30: {  	s31 =	sshll.u32 s1, $0xD;
	s1 =	sshrl.u32 s1, $0x2  }
0x31: {  	s3 =	sand.u32 $0x4000, s31;
	s1 =	sadd.s32 s1, s30  }
0x32: {  	s0 =	sor.u32 s3, s0;
	s1 =	sshll.u32 s1, $0x11  }
0x33: {  	s0 =	sor.u32 s1, s0  }
0x34: {  	s0 =	sadd.s32 $0x8F2B, s0  }
0x35: {  	[sflag:s0] =	ssyncadd.remote.s32 $0x1  }
0x36: {  	_ =	sfence.sel $0xFFFF  }
0x37: {  	[dreg:$0x0] =	wrdreg $0xFFFFFFFF;
	(pc) =	sbr.abs _section_cstart, $3  }
0x38: {  	[dreg:$0x1] =	wrdreg $0xFFFFFFFF  }
0x39: {  	_ =	task.clear_ibuf [dreg:s7], $0x2FFFF;
	_ =	strace $0x9FFFFFFF  }
0x3a: {  	(tm) =	ssettm $0x7FFFFFFF  }
0x3b: {  	_ =	shalt  }
tec
execute0_lowered:
.L_overlay_start_1:
0x0: {  	(tag) =	ssettag $0x1  }
0x1: {  	s0 =	srdreg.scid  }
0x2: {  	s1 =	sshll.u32 s0, $0x4  }
0x3: {  	s0 =	stileid.u32;
	s1 =	sand.u32 $0x10, s1  }
0x4: {  	s1 =	sor.u32 s0, s1  }
0x5: {  	s6 =	rddreg [dreg:$0x0];
	s4 =	simm.s32 $0x1;
	s2 =	sshll.u32 s1, $0x7  }
0x6: {  	s7 =	simm.s32 $0x2;
	s12 =	simm.s32 $0x0;
	s1 =	ssub.s32 $0x1000, s2  }
0x7: {  	s8 =	simm.s32 $0x8000;
	s13 =	simm.s32 $0x0;
	s3 =	sand.u32 $0xF80, s1  }
0x8: {  	s9 =	simm.s32 $0x0;
	s5 =	sshrl.u32 s1, $0xC;
	p0 =	sne.s32 s3, $0x0  }
.Ltmp0:
0x9: {  	s1 =	rddreg [dreg:$0x2];
	s4 =	simm.s32 @!p0 $0x0;
	(pc) =	sbr.rel .LBB1_1-.Ltmp0, $4  }
0xa: {  	s11 =	simm.s32 $0x0;
	s3 =	rddreg [dreg:$0x1];
	s5 =	sadd.s32 s4, s5  }
0xb: {  	_ =	strace $0x8000004A;
	s4 =	simm.s32 $0x1;
	s5 =	smul.u32 $0xC8, s5  }
0xc: {  	s6 =	sadd.s32 $0xF42C00, s6;
	s10 =	smov.u32 s2;
	[sflag:s4] =	ssyncpa.u1 $0x0  }
0xd: {  	p0 =	por $0x0, $0x0;
	[sflag:s7] =	ssyncpa.u1 $0x0;
	s7 =	sor.u32 $0x1, s5  }
.LBB1_4:
0xe: {  	s16 =	sshll.u32 s13, $0x3;
	s17 =	sand.u32 $0x78, s13  }
0xf: {  	s30 =	sand.u32 $0x7E00, s13;
	s12 =	sshll.u32 s12, $0xF;
	s16 =	sand.u32 $0xC00, s16  }
0x10: {  	[tilespmem:s15+$0x810 ss:$0x81] =	vst.msk $0xffff, v2;
	s31 =	sand.u32 $0x7, s13;
	s16 =	sor.u32 s17, s16;
	s17 =	sadd.s32 s3, s30  }
0x11: {  	[tilespmem:s15+$0x1020 ss:$0x81] =	vst.msk $0xffff, v0;
	s13 =	sshll.u32 s31, $0x12;
	s12 =	sadd.s32 s12, s17;
	s16 =	sshrl.u32 s16, $0x3  }
0x12: {  	[tilespmem:s15+$0x0 ss:$0x81] =	vst.msk $0xffff, v1;
	s13 =	sor.u32 $0x400, s13;
	s12 =	sadd.s32 s16, s12  }
0x13: {  	[hbm4b:s12+s13] =	stream.strided.scatter [tilespmem:s14], [sflag:$0x2], $0x2000, s8, s13, $0x20;
	[tilespmem:$0x8080] =	vst v63  }
.LBB1_5:
0x14: {  	s14 =	sadd.s32 $0x1, s9  }
0x15: {  	s12 =	sadd.s32 $0x1000, s10;
	s16 =	smov.u32 s10;
	p2 =	sgt.s32 s14, $0xC7  }
0x16: {  	s16 =	smov.u32 @p2 s12  }
0x17: {  	s14 =	simm.s32 @p2 $0x0;
	p2 =	sgt.s32 s16, $0xFFF  }
0x18: {  	s16 =	smov.u32 @p2 s2;
	p2 =	sne.s32 s11, s7  }
.Ltmp1:
0x19: {  	p1 =	slt.u32 s11, $0x2;
	(pc) =	sbr.rel @!p2 .LBB1_6-.Ltmp1, $4  }
0x1a: {  	s15 =	simm.s32 @!p1 $0x2  }
0x1b: {  	s13 =	smov.u32 s10;
	p0 =	por !p0, !p0;
	_ =	swait.ge @!p1 [sflag:s15], $0x2000  }
0x1c: {  	s12 =	smov.u32 s9;
	[sflag:s15] =	ssyncset.done @!p1 $0x0;
	s9 =	smov.u32 s14  }
0x1d: {  	s11 =	sadd.s32 $0x1, s11;
	[sflag:s15] =	ssyncadd.s32 @!p1 $0xFFFFE000;
	s10 =	smov.u32 s16  }
.LBB1_1:
0x1e: {  	p1 =	sge.u32 s11, s5  }
0x1f: {  	s14 =	sand.u32 @!p1 $0x1FFFFFF, s9  }
0x20: {  	s15 =	smulhi.u32 @!p1 $0x147AE15, s14;
	_ =	sdelay $0x1  }
0x21: {  	s15 =	smul.u32 @!p1 $0xC8, s15  }
0x22: {  	s16 =	sxor.u32 @!p1 $0xFFFFFFFF, s11;
	s17 =	smul.u32 @!p1 $0xC80, s10  }
0x23: {  	s31 =	sadd.s32 $0xFFFFFFFF, s11;
	s16 =	sshll.u32 @!p1 s16, $0xD;
	s14 =	ssub.s32 @!p1 s14, s15  }
0x24: {  	s15 =	sand.u32 @!p1 $0x2000, s16;
	s16 =	sadd.s32 @!p1 s6, s17;
	s14 =	sshll.u32 @!p1 s14, $0x4  }
0x25: {  	s17 =	simm.s32 @!p1 $0x6400;
	s14 =	sadd.s32 @!p1 s14, s16;
	s16 =	simm.s32 @!p1 $0x40  }
0x26: {  	[tilespmem:s15], [sflag:$0x1] =	stream.strided.gather @!p1 [hbm4b:s14+s16], $0x2000, s17, s16, $0x38;
	[tilespmem:$0x8080] =	vst v63  }
0x27: {  	p1 =	sge.u32 s31, s5  }
.Ltmp2:
0x28: {  	_ = 	snop;
	(pc) =	sbr.rel @p1 .LBB1_5-.Ltmp2, $1  }
0x29: {  	_ =	sdelay $0x3  }
0x2a: {  	s14 =	simm.s32 $0x1  }
0x2b: {  	_ =	swait.ge [sflag:s4], $0x2000;
	s14 =	simm.s32 @!p0 $0x0  }
0x2c: {  	[sflag:s4] =	ssyncset.done $0x0;
	s15 =	sshll.u32 s14, $0xD  }
0x2d: {  	[sflag:s4] =	ssyncadd.s32 $0xFFFFE000;
	s18 =	sor.u32 $0x20, s15  }
0x2e: {  	s14 =	smul.u32 $0x8100, s14;
	v3 =	vld [tilespmem:s18+$0x10]  }
0x2f: {  	s30 =	sand.u32 $0x1, s11;
	v2 =	vld [tilespmem:s18+$0xFFFFFFF0]  }
0x30: {  	s15 =	smul.u32 $0x8100, s30;
	s14 =	sshrl.u32 s14, $0x2;
	v0 =	vld [tilespmem:s18+$0x0]  }
0x31: {  	v1 =	vld [tilespmem:s18+$0xFFFFFFE0];
	s16 =	sor.u32 $0x4000, s14  }
0x32: {  	s31 =	sshrl.u32 s15, $0x2;
	s15 =	sadd.s32 $0x0, s16  }
0x33: {  	s17 =	simm.s32 $0x4;
	s18 =	sadd.s32 $0x40, s18;
	s14 =	sor.u32 $0x4000, s31;
	[tilespmem:s15+$0x1830 ss:$0x81] =	vst.msk $0xffff, v3  }
.LBB1_3:
0x34: {  	v3 =	vld [tilespmem:s18+$0x10];
	p1 =	sne.s32 s17, $0x1FC;
	[tilespmem:s15+$0x810 ss:$0x81] =	vst.msk $0xffff, v2;
	s19 =	smov.u32 s17;
	s17 =	sadd.s32 $0x4, s17  }
.Ltmp3:
0x35: {  	v2 =	vld [tilespmem:s18+$0xFFFFFFF0];
	[tilespmem:s15+$0x1020 ss:$0x81] =	vst.msk $0xffff, v0;
	(pc) =	sbr.rel @p1 .LBB1_3-.Ltmp3, $4  }
0x36: {  	v0 =	vld [tilespmem:s18+$0x0];
	[tilespmem:s15+$0x0 ss:$0x81] =	vst.msk $0xffff, v1  }
0x37: {  	s15 =	sshra.s32 s19, $0x2;
	v1 =	vld [tilespmem:s18+$0xFFFFFFE0]  }
0x38: {  	s15 =	sadd.s32 s15, s16  }
0x39: {  	s18 =	sadd.s32 $0x40, s18;
	[tilespmem:s15+$0x1830 ss:$0x81] =	vst.msk $0xffff, v3  }
.Ltmp4:
0x3a: {  	_ = 	snop;
	(pc) =	sbr.rel .LBB1_4-.Ltmp4, $1  }
0x3b: {  	_ =	sdelay $0x3  }
.LBB1_6:
0x3c: {  	_ =	sfence.sel $0x180000  }
0x3d: {  	s2 =	simm.s32 $0x1;
	[bflag:$0x0] =	sbarrier.arrive $0xFFFF  }
0x3e: {  	s31 =	simm.s32 $0x2;
	[sflag:s2] =	ssyncpa.u1 $0x1  }
0x3f: {  	[sflag:s31] =	ssyncpa.u1 $0x1  }
0x40: {  	p0 =	sne.s32 s0, $0x0;
	_ =	strace $0x9000004A  }
0x41: {  	s0 =	sadd.s32 @!p0 $0x100000, s1;
	[bflag:$0x2] =	sbarrier.arrive $0xFFFF  }
0x42: {  	[sflag:s0] =	ssyncadd.tile.s32 @!p0 $0x1;
	_ =	shalt  }
.Lfunc_end1:
_tile_overlayer_lowered:
.L_overlay_start_2:
0x43: {  	(tag) =	ssettag $0x2  }
0x44: {  	s0 =	rddreg [dreg:$0x0];
	s2 =	stileid.u32  }
0x45: {  	s1 =	rddreg [dreg:$0x1];
	p0 =	sne.s32 s2, $0x0  }
0x46: {  	s3 =	rddreg [dreg:$0x2];
	[bflag:$0x3] =	sbarrier.arrive $0xFFFF;
	s2 =	simm.s32 @!p0 $0x1C01  }
0x47: {  	[timem:s3], [sflag:s2] =	dma.local @!p0 [hbm:s0], s1  }
0x48: {  	s0 =	simm.s32 @!p0 $0x1  }
0x49: {  	_ =	swait.ge @!p0 [sflag:s0], s1  }
0x4a: {  	s1 =	ssub.s32 @!p0 $0x0, s1;
	[sflag:s0] =	ssyncset.done @!p0 $0x0  }
0x4b: {  	[sflag:s0] =	ssyncadd.s32 @!p0 s1  }
0x4c: {  	[bflag:$0x3] =	sbarrier.arrive $0xFFFF  }
0x4d: {  	_ =	shalt  }

</sc_bundles>
